<compile_context>
chip_gen: v7x
topology: tpu7x:2x2x1
jax: 0.10.2.dev20260603
libtpu: 0.0.44.dev20260713+nightly
codegen_flags: <defaults>
</compile_context>

<pallas_src>
import functools

import jax
import jax.numpy as jnp
from jax import lax
from jax.experimental import pallas as pl
from jax.experimental.pallas import tpu as pltpu
from jax.experimental.pallas import tpu_sc as plsc

_XFER = 128
_NUM_CORES = 2
_NUM_SUBCORES = 16
_NW = _NUM_CORES * _NUM_SUBCORES
_K = 4


@functools.lru_cache(maxsize=None)
def _build_gather(n_xfer_rows: int, d: int):
    xpw = n_xfer_rows // _NW
    chunks = []
    s = 0
    while s < xpw:
        c = min(_K, xpw - s)
        chunks.append((s, c))
        s += c
    mesh = plsc.VectorSubcoreMesh(core_axis_name="c", subcore_axis_name="s")

    @functools.partial(
        pl.kernel,
        mesh=mesh,
        out_type=jax.ShapeDtypeStruct((n_xfer_rows * _XFER, d), jnp.float32),
        scratch_types=[
            pltpu.VMEM((xpw, _XFER), jnp.int32),
            pltpu.VMEM((2, _K * _XFER, d), jnp.float32),
            pltpu.SemaphoreType.DMA,
            pltpu.SemaphoreType.DMA,
            pltpu.SemaphoreType.DMA,
            pltpu.SemaphoreType.DMA,
        ],
        compiler_params=pltpu.CompilerParams(use_tc_tiling_on_sc=False),
    )
    def gather(idx_hbm, table_hbm, out_hbm, idx_v, rows_v,
               gsem0, gsem1, wsem0, wsem1):
        gsems = (gsem0, gsem1)
        wsems = (wsem0, wsem1)
        wid = lax.axis_index("s") * _NUM_CORES + lax.axis_index("c")
        row0 = wid * xpw * _XFER
        pltpu.sync_copy(idx_hbm.at[wid], idx_v)

        def fire(ci):
            s0, c = chunks[ci]
            buf = ci % 2
            return [
                pltpu.async_copy(
                    table_hbm.at[idx_v.at[s0 + j]],
                    rows_v.at[buf, pl.ds(j * _XFER, _XFER)],
                    gsems[buf],
                )
                for j in range(c)
            ]

        wpend = [None, None]
        pending = fire(0)
        for ci in range(len(chunks)):
            buf = ci % 2
            if ci + 1 < len(chunks):
                if wpend[1 - buf] is not None:
                    wpend[1 - buf].wait()
                    wpend[1 - buf] = None
                nxt = fire(ci + 1)
            else:
                nxt = []
            for cp in pending:
                cp.wait()
            s0, c = chunks[ci]
            wpend[buf] = pltpu.async_copy(
                rows_v.at[buf, pl.ds(0, c * _XFER)],
                out_hbm.at[pl.ds(row0 + s0 * _XFER, c * _XFER)],
                wsems[buf],
            )
            pending = nxt
        for w in wpend:
            if w is not None:
                w.wait()

    return gather


def kernel(inputs, embeddings):
    b, s = inputs.shape
    n = b * s
    d = embeddings.shape[1]
    idx3d = inputs.reshape(_NW, n // (_NW * _XFER), _XFER).astype(jnp.int32)
    out = _build_gather(n // _XFER, d)(idx3d, embeddings)
    return out.reshape(b, s, d)

# --- scband reference (transcript-rebuilt; emitter-appended) ---
"""Pipeline reference for scband-embedding-11879879544648 (READ-ONLY COPY).

The authoritative reference and input builder live on the scoring server;
editing this copy changes nothing except your own understanding.
"""

import jax, jax.numpy as jnp
import numpy as np

TABLE_SIZE = 100000
EMBED_DIM = 64

def setup_inputs(seed: int = 0) -> dict:
    key = jax.random.key(seed)
    k1, k2 = jax.random.split(key)
    inputs = jax.random.randint(k1, (4096, 26), 0, TABLE_SIZE, dtype=jnp.int64)
    # embeddings initialized uniform(-sqrt(3), sqrt(3)) per RandomUniform initializer
    embeddings = jax.random.uniform(k2, (TABLE_SIZE, EMBED_DIM), dtype=jnp.float32,
                                    minval=-np.sqrt(3), maxval=np.sqrt(3))
    return {"inputs": inputs, "embeddings": embeddings}

def reference(inputs, embeddings):
    # Forward of the scaling op is identity; forward pass is a plain gather.
    return jnp.take(embeddings, inputs, axis=0)

if __name__ == "__main__":
    import jax
    _d = setup_inputs()
    print(jax.jit(kernel)(*tuple(_d.values())))

</pallas_src>

<mosaic_0001>
#map = affine_map<(d0, d1) -> (0, 0, 0)>
#map1 = affine_map<(d0, d1) -> (0, 0)>
module attributes {stable_mosaic.version = 14 : i64} {
  func.func @gather(%arg0: i32, %arg1: i32, %arg2: memref<32x26x128xi32, #tpu.memory_space<hbm>>, %arg3: memref<100000x64xf32, #tpu.memory_space<hbm>>, %arg4: memref<106496x64xf32, #tpu.memory_space<hbm>>, %arg5: memref<26x128xi32, #tpu.memory_space<vmem>>, %arg6: memref<2x512x64xf32, #tpu.memory_space<vmem>>, %arg7: memref<!tpu.dma_semaphore, #tpu.memory_space<semaphore_mem>>, %arg8: memref<!tpu.dma_semaphore, #tpu.memory_space<semaphore_mem>>, %arg9: memref<!tpu.dma_semaphore, #tpu.memory_space<semaphore_mem>>, %arg10: memref<!tpu.dma_semaphore, #tpu.memory_space<semaphore_mem>>) attributes {dimension_semantics = [#tpu.dimension_semantics<core_parallel>, #tpu.dimension_semantics<subcore_parallel>], iteration_bounds = array<i64: 2, 16>, scalar_prefetch = 0 : i64, scratch_operands = 6 : i64, tpu.core_type = #tpu.core_type<sc_vector_subcore>, window_params = [{transform_indices = #map}, {transform_indices = #map1}, {transform_indices = #map1}]} {
    %mul3A = arith.constant 2 : i32
    %mul3A_0 = arith.muli %arg1, %mul3A : i32
    %add3A = arith.addi %mul3A_0, %arg0 : i32
    %mul3A_1 = arith.constant 26 : i32
    %mul3A_2 = arith.muli %add3A, %mul3A_1 : i32
    %mul3A_3 = arith.constant 128 : i32
    %mul3A_4 = arith.muli %mul3A_2, %mul3A_3 : i32
    "tpu.region"() ({
      %run_scoped3A = tpu.sem_alloc : memref<!tpu.dma_semaphore, #tpu.memory_space<semaphore_mem>>
      %dma_start3A_823 = arith.constant 0 : i32
      %dma_start3A_824 = arith.constant 0 : i32
      %dma_start3A_825 = tpu.memref_slice %arg2[%add3A, %dma_start3A_823, %dma_start3A_824] : memref<32x26x128xi32, #tpu.memory_space<hbm>> -> memref<1x26x128xi32, #tpu.memory_space<hbm>>
      %dma_start3A_826 = tpu.memref_squeeze %dma_start3A_825 : memref<1x26x128xi32, #tpu.memory_space<hbm>> -> memref<26x128xi32, #tpu.memory_space<hbm>>
      %dma_start3A_827 = arith.constant 0 : i32
      %dma_start3A_828 = arith.constant 0 : i32
      %dma_start3A_829 = tpu.memref_slice %arg2[%add3A, %dma_start3A_827, %dma_start3A_828] : memref<32x26x128xi32, #tpu.memory_space<hbm>> -> memref<1x26x128xi32, #tpu.memory_space<hbm>>
      %dma_start3A_830 = tpu.memref_squeeze %dma_start3A_829 : memref<1x26x128xi32, #tpu.memory_space<hbm>> -> memref<26x128xi32, #tpu.memory_space<hbm>>
      tpu.enqueue_dma source(%dma_start3A_830 : memref<26x128xi32, #tpu.memory_space<hbm>>) target(%arg5 : memref<26x128xi32, #tpu.memory_space<vmem>>) target_semaphore(%run_scoped3A : memref<!tpu.dma_semaphore, #tpu.memory_space<semaphore_mem>>)
      %dma_wait3A_831 = arith.constant 0 : i32
      %dma_wait3A_832 = arith.constant 0 : i32
      %dma_wait3A_833 = tpu.memref_slice %arg2[%add3A, %dma_wait3A_831, %dma_wait3A_832] : memref<32x26x128xi32, #tpu.memory_space<hbm>> -> memref<1x26x128xi32, #tpu.memory_space<hbm>>
      %dma_wait3A_834 = tpu.memref_squeeze %dma_wait3A_833 : memref<1x26x128xi32, #tpu.memory_space<hbm>> -> memref<26x128xi32, #tpu.memory_space<hbm>>
      %dma_wait3A_835 = arith.constant 0 : i32
      %dma_wait3A_836 = arith.constant 0 : i32
      %dma_wait3A_837 = tpu.memref_slice %arg2[%add3A, %dma_wait3A_835, %dma_wait3A_836] : memref<32x26x128xi32, #tpu.memory_space<hbm>> -> memref<1x26x128xi32, #tpu.memory_space<hbm>>
      %dma_wait3A_838 = tpu.memref_squeeze %dma_wait3A_837 : memref<1x26x128xi32, #tpu.memory_space<hbm>> -> memref<26x128xi32, #tpu.memory_space<hbm>>
      tpu.wait_dma2 semaphore(%run_scoped3A : memref<!tpu.dma_semaphore, #tpu.memory_space<semaphore_mem>>) src(%dma_wait3A_838 : memref<26x128xi32, #tpu.memory_space<hbm>>) dst(%arg5 : memref<26x128xi32, #tpu.memory_space<vmem>>)
      tpu.yield
    }) : () -> ()
    %dma_start3A = arith.constant 0 : i32
    %dma_start3A_5 = arith.constant 0 : i32
    %dma_start3A_6 = arith.constant 0 : i32
    %dma_start3A_7 = arith.constant 0 : i32
    %dma_start3A_8 = tpu.memref_slice %arg6[%dma_start3A_5, %dma_start3A_6, %dma_start3A_7] : memref<2x512x64xf32, #tpu.memory_space<vmem>> -> memref<1x128x64xf32, #tpu.memory_space<vmem>>
    %dma_start3A_9 = tpu.memref_squeeze %dma_start3A_8 : memref<1x128x64xf32, #tpu.memory_space<vmem>> -> memref<128x64xf32, #tpu.memory_space<vmem>>
    %dma_start3A_10 = arith.constant 0 : i32
    %dma_start3A_11 = tpu.memref_slice %arg5[%dma_start3A, %dma_start3A_10] : memref<26x128xi32, #tpu.memory_space<vmem>> -> memref<1x128xi32, #tpu.memory_space<vmem>>
    %dma_start3A_12 = tpu.memref_squeeze %dma_start3A_11 : memref<1x128xi32, #tpu.memory_space<vmem>> -> memref<128xi32, #tpu.memory_space<vmem>>
    %dma_start3A_13 = arith.constant 0 : i32
    %dma_start3A_14 = arith.constant 0 : i32
    %dma_start3A_15 = tpu.memref_slice %arg3[%dma_start3A_13, %dma_start3A_14] : memref<100000x64xf32, #tpu.memory_space<hbm>> -> memref<100000x64xf32, #tpu.memory_space<hbm>>
    tpu.enqueue_indirect_dma source(%dma_start3A_15 : memref<100000x64xf32, #tpu.memory_space<hbm>>) target(%dma_start3A_9 : memref<128x64xf32, #tpu.memory_space<vmem>>) offsets(%dma_start3A_12 : memref<128xi32, #tpu.memory_space<vmem>>) semaphore(%arg7 : memref<!tpu.dma_semaphore, #tpu.memory_space<semaphore_mem>>)
    %dma_start3A_16 = arith.constant 1 : i32
    %dma_start3A_17 = arith.constant 0 : i32
    %dma_start3A_18 = arith.constant 128 : i32
    %dma_start3A_19 = arith.constant 0 : i32
    %dma_start3A_20 = tpu.memref_slice %arg6[%dma_start3A_17, %dma_start3A_18, %dma_start3A_19] : memref<2x512x64xf32, #tpu.memory_space<vmem>> -> memref<1x128x64xf32, #tpu.memory_space<vmem>>
    %dma_start3A_21 = tpu.memref_squeeze %dma_start3A_20 : memref<1x128x64xf32, #tpu.memory_space<vmem>> -> memref<128x64xf32, #tpu.memory_space<vmem>>
    %dma_start3A_22 = arith.constant 0 : i32
    %dma_start3A_23 = tpu.memref_slice %arg5[%dma_start3A_16, %dma_start3A_22] : memref<26x128xi32, #tpu.memory_space<vmem>> -> memref<1x128xi32, #tpu.memory_space<vmem>>
    %dma_start3A_24 = tpu.memref_squeeze %dma_start3A_23 : memref<1x128xi32, #tpu.memory_space<vmem>> -> memref<128xi32, #tpu.memory_space<vmem>>
    %dma_start3A_25 = arith.constant 0 : i32
    %dma_start3A_26 = arith.constant 0 : i32
    %dma_start3A_27 = tpu.memref_slice %arg3[%dma_start3A_25, %dma_start3A_26] : memref<100000x64xf32, #tpu.memory_space<hbm>> -> memref<100000x64xf32, #tpu.memory_space<hbm>>
    tpu.enqueue_indirect_dma source(%dma_start3A_27 : memref<100000x64xf32, #tpu.memory_space<hbm>>) target(%dma_start3A_21 : memref<128x64xf32, #tpu.memory_space<vmem>>) offsets(%dma_start3A_24 : memref<128xi32, #tpu.memory_space<vmem>>) semaphore(%arg7 : memref<!tpu.dma_semaphore, #tpu.memory_space<semaphore_mem>>)
    %dma_start3A_28 = arith.constant 2 : i32
    %dma_start3A_29 = arith.constant 0 : i32
    %dma_start3A_30 = arith.constant 256 : i32
    %dma_start3A_31 = arith.constant 0 : i32
    %dma_start3A_32 = tpu.memref_slice %arg6[%dma_start3A_29, %dma_start3A_30, %dma_start3A_31] : memref<2x512x64xf32, #tpu.memory_space<vmem>> -> memref<1x128x64xf32, #tpu.memory_space<vmem>>
    %dma_start3A_33 = tpu.memref_squeeze %dma_start3A_32 : memref<1x128x64xf32, #tpu.memory_space<vmem>> -> memref<128x64xf32, #tpu.memory_space<vmem>>
    %dma_start3A_34 = arith.constant 0 : i32
    %dma_start3A_35 = tpu.memref_slice %arg5[%dma_start3A_28, %dma_start3A_34] : memref<26x128xi32, #tpu.memory_space<vmem>> -> memref<1x128xi32, #tpu.memory_space<vmem>>
    %dma_start3A_36 = tpu.memref_squeeze %dma_start3A_35 : memref<1x128xi32, #tpu.memory_space<vmem>> -> memref<128xi32, #tpu.memory_space<vmem>>
    %dma_start3A_37 = arith.constant 0 : i32
    %dma_start3A_38 = arith.constant 0 : i32
    %dma_start3A_39 = tpu.memref_slice %arg3[%dma_start3A_37, %dma_start3A_38] : memref<100000x64xf32, #tpu.memory_space<hbm>> -> memref<100000x64xf32, #tpu.memory_space<hbm>>
    tpu.enqueue_indirect_dma source(%dma_start3A_39 : memref<100000x64xf32, #tpu.memory_space<hbm>>) target(%dma_start3A_33 : memref<128x64xf32, #tpu.memory_space<vmem>>) offsets(%dma_start3A_36 : memref<128xi32, #tpu.memory_space<vmem>>) semaphore(%arg7 : memref<!tpu.dma_semaphore, #tpu.memory_space<semaphore_mem>>)
    %dma_start3A_40 = arith.constant 3 : i32
    %dma_start3A_41 = arith.constant 0 : i32
    %dma_start3A_42 = arith.constant 384 : i32
    %dma_start3A_43 = arith.constant 0 : i32
    %dma_start3A_44 = tpu.memref_slice %arg6[%dma_start3A_41, %dma_start3A_42, %dma_start3A_43] : memref<2x512x64xf32, #tpu.memory_space<vmem>> -> memref<1x128x64xf32, #tpu.memory_space<vmem>>
    %dma_start3A_45 = tpu.memref_squeeze %dma_start3A_44 : memref<1x128x64xf32, #tpu.memory_space<vmem>> -> memref<128x64xf32, #tpu.memory_space<vmem>>
    %dma_start3A_46 = arith.constant 0 : i32
    %dma_start3A_47 = tpu.memref_slice %arg5[%dma_start3A_40, %dma_start3A_46] : memref<26x128xi32, #tpu.memory_space<vmem>> -> memref<1x128xi32, #tpu.memory_space<vmem>>
    %dma_start3A_48 = tpu.memref_squeeze %dma_start3A_47 : memref<1x128xi32, #tpu.memory_space<vmem>> -> memref<128xi32, #tpu.memory_space<vmem>>
    %dma_start3A_49 = arith.constant 0 : i32
    %dma_start3A_50 = arith.constant 0 : i32
    %dma_start3A_51 = tpu.memref_slice %arg3[%dma_start3A_49, %dma_start3A_50] : memref<100000x64xf32, #tpu.memory_space<hbm>> -> memref<100000x64xf32, #tpu.memory_space<hbm>>
    tpu.enqueue_indirect_dma source(%dma_start3A_51 : memref<100000x64xf32, #tpu.memory_space<hbm>>) target(%dma_start3A_45 : memref<128x64xf32, #tpu.memory_space<vmem>>) offsets(%dma_start3A_48 : memref<128xi32, #tpu.memory_space<vmem>>) semaphore(%arg7 : memref<!tpu.dma_semaphore, #tpu.memory_space<semaphore_mem>>)
    %dma_start3A_52 = arith.constant 4 : i32
    %dma_start3A_53 = arith.constant 1 : i32
    %dma_start3A_54 = arith.constant 0 : i32
    %dma_start3A_55 = arith.constant 0 : i32
    %dma_start3A_56 = tpu.memref_slice %arg6[%dma_start3A_53, %dma_start3A_54, %dma_start3A_55] : memref<2x512x64xf32, #tpu.memory_space<vmem>> -> memref<1x128x64xf32, #tpu.memory_space<vmem>>
    %dma_start3A_57 = tpu.memref_squeeze %dma_start3A_56 : memref<1x128x64xf32, #tpu.memory_space<vmem>> -> memref<128x64xf32, #tpu.memory_space<vmem>>
    %dma_start3A_58 = arith.constant 0 : i32
    %dma_start3A_59 = tpu.memref_slice %arg5[%dma_start3A_52, %dma_start3A_58] : memref<26x128xi32, #tpu.memory_space<vmem>> -> memref<1x128xi32, #tpu.memory_space<vmem>>
    %dma_start3A_60 = tpu.memref_squeeze %dma_start3A_59 : memref<1x128xi32, #tpu.memory_space<vmem>> -> memref<128xi32, #tpu.memory_space<vmem>>
    %dma_start3A_61 = arith.constant 0 : i32
    %dma_start3A_62 = arith.constant 0 : i32
    %dma_start3A_63 = tpu.memref_slice %arg3[%dma_start3A_61, %dma_start3A_62] : memref<100000x64xf32, #tpu.memory_space<hbm>> -> memref<100000x64xf32, #tpu.memory_space<hbm>>
    tpu.enqueue_indirect_dma source(%dma_start3A_63 : memref<100000x64xf32, #tpu.memory_space<hbm>>) target(%dma_start3A_57 : memref<128x64xf32, #tpu.memory_space<vmem>>) offsets(%dma_start3A_60 : memref<128xi32, #tpu.memory_space<vmem>>) semaphore(%arg8 : memref<!tpu.dma_semaphore, #tpu.memory_space<semaphore_mem>>)
    %dma_start3A_64 = arith.constant 5 : i32
    %dma_start3A_65 = arith.constant 1 : i32
    %dma_start3A_66 = arith.constant 128 : i32
    %dma_start3A_67 = arith.constant 0 : i32
    %dma_start3A_68 = tpu.memref_slice %arg6[%dma_start3A_65, %dma_start3A_66, %dma_start3A_67] : memref<2x512x64xf32, #tpu.memory_space<vmem>> -> memref<1x128x64xf32, #tpu.memory_space<vmem>>
    %dma_start3A_69 = tpu.memref_squeeze %dma_start3A_68 : memref<1x128x64xf32, #tpu.memory_space<vmem>> -> memref<128x64xf32, #tpu.memory_space<vmem>>
    %dma_start3A_70 = arith.constant 0 : i32
    %dma_start3A_71 = tpu.memref_slice %arg5[%dma_start3A_64, %dma_start3A_70] : memref<26x128xi32, #tpu.memory_space<vmem>> -> memref<1x128xi32, #tpu.memory_space<vmem>>
    %dma_start3A_72 = tpu.memref_squeeze %dma_start3A_71 : memref<1x128xi32, #tpu.memory_space<vmem>> -> memref<128xi32, #tpu.memory_space<vmem>>
    %dma_start3A_73 = arith.constant 0 : i32
    %dma_start3A_74 = arith.constant 0 : i32
    %dma_start3A_75 = tpu.memref_slice %arg3[%dma_start3A_73, %dma_start3A_74] : memref<100000x64xf32, #tpu.memory_space<hbm>> -> memref<100000x64xf32, #tpu.memory_space<hbm>>
    tpu.enqueue_indirect_dma source(%dma_start3A_75 : memref<100000x64xf32, #tpu.memory_space<hbm>>) target(%dma_start3A_69 : memref<128x64xf32, #tpu.memory_space<vmem>>) offsets(%dma_start3A_72 : memref<128xi32, #tpu.memory_space<vmem>>) semaphore(%arg8 : memref<!tpu.dma_semaphore, #tpu.memory_space<semaphore_mem>>)
    %dma_start3A_76 = arith.constant 6 : i32
    %dma_start3A_77 = arith.constant 1 : i32
    %dma_start3A_78 = arith.constant 256 : i32
    %dma_start3A_79 = arith.constant 0 : i32
    %dma_start3A_80 = tpu.memref_slice %arg6[%dma_start3A_77, %dma_start3A_78, %dma_start3A_79] : memref<2x512x64xf32, #tpu.memory_space<vmem>> -> memref<1x128x64xf32, #tpu.memory_space<vmem>>
    %dma_start3A_81 = tpu.memref_squeeze %dma_start3A_80 : memref<1x128x64xf32, #tpu.memory_space<vmem>> -> memref<128x64xf32, #tpu.memory_space<vmem>>
    %dma_start3A_82 = arith.constant 0 : i32
    %dma_start3A_83 = tpu.memref_slice %arg5[%dma_start3A_76, %dma_start3A_82] : memref<26x128xi32, #tpu.memory_space<vmem>> -> memref<1x128xi32, #tpu.memory_space<vmem>>
    %dma_start3A_84 = tpu.memref_squeeze %dma_start3A_83 : memref<1x128xi32, #tpu.memory_space<vmem>> -> memref<128xi32, #tpu.memory_space<vmem>>
    %dma_start3A_85 = arith.constant 0 : i32
    %dma_start3A_86 = arith.constant 0 : i32
    %dma_start3A_87 = tpu.memref_slice %arg3[%dma_start3A_85, %dma_start3A_86] : memref<100000x64xf32, #tpu.memory_space<hbm>> -> memref<100000x64xf32, #tpu.memory_space<hbm>>
    tpu.enqueue_indirect_dma source(%dma_start3A_87 : memref<100000x64xf32, #tpu.memory_space<hbm>>) target(%dma_start3A_81 : memref<128x64xf32, #tpu.memory_space<vmem>>) offsets(%dma_start3A_84 : memref<128xi32, #tpu.memory_space<vmem>>) semaphore(%arg8 : memref<!tpu.dma_semaphore, #tpu.memory_space<semaphore_mem>>)
    %dma_start3A_88 = arith.constant 7 : i32
    %dma_start3A_89 = arith.constant 1 : i32
    %dma_start3A_90 = arith.constant 384 : i32
    %dma_start3A_91 = arith.constant 0 : i32
    %dma_start3A_92 = tpu.memref_slice %arg6[%dma_start3A_89, %dma_start3A_90, %dma_start3A_91] : memref<2x512x64xf32, #tpu.memory_space<vmem>> -> memref<1x128x64xf32, #tpu.memory_space<vmem>>
    %dma_start3A_93 = tpu.memref_squeeze %dma_start3A_92 : memref<1x128x64xf32, #tpu.memory_space<vmem>> -> memref<128x64xf32, #tpu.memory_space<vmem>>
    %dma_start3A_94 = arith.constant 0 : i32
    %dma_start3A_95 = tpu.memref_slice %arg5[%dma_start3A_88, %dma_start3A_94] : memref<26x128xi32, #tpu.memory_space<vmem>> -> memref<1x128xi32, #tpu.memory_space<vmem>>
    %dma_start3A_96 = tpu.memref_squeeze %dma_start3A_95 : memref<1x128xi32, #tpu.memory_space<vmem>> -> memref<128xi32, #tpu.memory_space<vmem>>
    %dma_start3A_97 = arith.constant 0 : i32
    %dma_start3A_98 = arith.constant 0 : i32
    %dma_start3A_99 = tpu.memref_slice %arg3[%dma_start3A_97, %dma_start3A_98] : memref<100000x64xf32, #tpu.memory_space<hbm>> -> memref<100000x64xf32, #tpu.memory_space<hbm>>
    tpu.enqueue_indirect_dma source(%dma_start3A_99 : memref<100000x64xf32, #tpu.memory_space<hbm>>) target(%dma_start3A_93 : memref<128x64xf32, #tpu.memory_space<vmem>>) offsets(%dma_start3A_96 : memref<128xi32, #tpu.memory_space<vmem>>) semaphore(%arg8 : memref<!tpu.dma_semaphore, #tpu.memory_space<semaphore_mem>>)
    %dma_wait3A = arith.constant 0 : i32
    %dma_wait3A_100 = arith.constant 0 : i32
    %dma_wait3A_101 = arith.constant 0 : i32
    %dma_wait3A_102 = arith.constant 0 : i32
    %dma_wait3A_103 = tpu.memref_slice %arg6[%dma_wait3A_100, %dma_wait3A_101, %dma_wait3A_102] : memref<2x512x64xf32, #tpu.memory_space<vmem>> -> memref<1x128x64xf32, #tpu.memory_space<vmem>>
    %dma_wait3A_104 = tpu.memref_squeeze %dma_wait3A_103 : memref<1x128x64xf32, #tpu.memory_space<vmem>> -> memref<128x64xf32, #tpu.memory_space<vmem>>
    %dma_wait3A_105 = arith.constant 0 : i32
    %dma_wait3A_106 = tpu.memref_slice %arg5[%dma_wait3A, %dma_wait3A_105] : memref<26x128xi32, #tpu.memory_space<vmem>> -> memref<1x128xi32, #tpu.memory_space<vmem>>
    %dma_wait3A_107 = tpu.memref_squeeze %dma_wait3A_106 : memref<1x128xi32, #tpu.memory_space<vmem>> -> memref<128xi32, #tpu.memory_space<vmem>>
    %dma_wait3A_108 = arith.constant 0 : i32
    %dma_wait3A_109 = arith.constant 0 : i32
    %dma_wait3A_110 = tpu.memref_slice %arg3[%dma_wait3A_108, %dma_wait3A_109] : memref<100000x64xf32, #tpu.memory_space<hbm>> -> memref<100000x64xf32, #tpu.memory_space<hbm>>
    tpu.wait_indirect_dma semaphore(%arg7 : memref<!tpu.dma_semaphore, #tpu.memory_space<semaphore_mem>>) src(%dma_wait3A_110 : memref<100000x64xf32, #tpu.memory_space<hbm>>) dst(%dma_wait3A_104 : memref<128x64xf32, #tpu.memory_space<vmem>>)
    %dma_wait3A_111 = arith.constant 1 : i32
    %dma_wait3A_112 = arith.constant 0 : i32
    %dma_wait3A_113 = arith.constant 128 : i32
    %dma_wait3A_114 = arith.constant 0 : i32
    %dma_wait3A_115 = tpu.memref_slice %arg6[%dma_wait3A_112, %dma_wait3A_113, %dma_wait3A_114] : memref<2x512x64xf32, #tpu.memory_space<vmem>> -> memref<1x128x64xf32, #tpu.memory_space<vmem>>
    %dma_wait3A_116 = tpu.memref_squeeze %dma_wait3A_115 : memref<1x128x64xf32, #tpu.memory_space<vmem>> -> memref<128x64xf32, #tpu.memory_space<vmem>>
    %dma_wait3A_117 = arith.constant 0 : i32
    %dma_wait3A_118 = tpu.memref_slice %arg5[%dma_wait3A_111, %dma_wait3A_117] : memref<26x128xi32, #tpu.memory_space<vmem>> -> memref<1x128xi32, #tpu.memory_space<vmem>>
    %dma_wait3A_119 = tpu.memref_squeeze %dma_wait3A_118 : memref<1x128xi32, #tpu.memory_space<vmem>> -> memref<128xi32, #tpu.memory_space<vmem>>
    %dma_wait3A_120 = arith.constant 0 : i32
    %dma_wait3A_121 = arith.constant 0 : i32
    %dma_wait3A_122 = tpu.memref_slice %arg3[%dma_wait3A_120, %dma_wait3A_121] : memref<100000x64xf32, #tpu.memory_space<hbm>> -> memref<100000x64xf32, #tpu.memory_space<hbm>>
    tpu.wait_indirect_dma semaphore(%arg7 : memref<!tpu.dma_semaphore, #tpu.memory_space<semaphore_mem>>) src(%dma_wait3A_122 : memref<100000x64xf32, #tpu.memory_space<hbm>>) dst(%dma_wait3A_116 : memref<128x64xf32, #tpu.memory_space<vmem>>)
    %dma_wait3A_123 = arith.constant 2 : i32
    %dma_wait3A_124 = arith.constant 0 : i32
    %dma_wait3A_125 = arith.constant 256 : i32
    %dma_wait3A_126 = arith.constant 0 : i32
    %dma_wait3A_127 = tpu.memref_slice %arg6[%dma_wait3A_124, %dma_wait3A_125, %dma_wait3A_126] : memref<2x512x64xf32, #tpu.memory_space<vmem>> -> memref<1x128x64xf32, #tpu.memory_space<vmem>>
    %dma_wait3A_128 = tpu.memref_squeeze %dma_wait3A_127 : memref<1x128x64xf32, #tpu.memory_space<vmem>> -> memref<128x64xf32, #tpu.memory_space<vmem>>
    %dma_wait3A_129 = arith.constant 0 : i32
    %dma_wait3A_130 = tpu.memref_slice %arg5[%dma_wait3A_123, %dma_wait3A_129] : memref<26x128xi32, #tpu.memory_space<vmem>> -> memref<1x128xi32, #tpu.memory_space<vmem>>
    %dma_wait3A_131 = tpu.memref_squeeze %dma_wait3A_130 : memref<1x128xi32, #tpu.memory_space<vmem>> -> memref<128xi32, #tpu.memory_space<vmem>>
    %dma_wait3A_132 = arith.constant 0 : i32
    %dma_wait3A_133 = arith.constant 0 : i32
    %dma_wait3A_134 = tpu.memref_slice %arg3[%dma_wait3A_132, %dma_wait3A_133] : memref<100000x64xf32, #tpu.memory_space<hbm>> -> memref<100000x64xf32, #tpu.memory_space<hbm>>
    tpu.wait_indirect_dma semaphore(%arg7 : memref<!tpu.dma_semaphore, #tpu.memory_space<semaphore_mem>>) src(%dma_wait3A_134 : memref<100000x64xf32, #tpu.memory_space<hbm>>) dst(%dma_wait3A_128 : memref<128x64xf32, #tpu.memory_space<vmem>>)
    %dma_wait3A_135 = arith.constant 3 : i32
    %dma_wait3A_136 = arith.constant 0 : i32
    %dma_wait3A_137 = arith.constant 384 : i32
    %dma_wait3A_138 = arith.constant 0 : i32
    %dma_wait3A_139 = tpu.memref_slice %arg6[%dma_wait3A_136, %dma_wait3A_137, %dma_wait3A_138] : memref<2x512x64xf32, #tpu.memory_space<vmem>> -> memref<1x128x64xf32, #tpu.memory_space<vmem>>
    %dma_wait3A_140 = tpu.memref_squeeze %dma_wait3A_139 : memref<1x128x64xf32, #tpu.memory_space<vmem>> -> memref<128x64xf32, #tpu.memory_space<vmem>>
    %dma_wait3A_141 = arith.constant 0 : i32
    %dma_wait3A_142 = tpu.memref_slice %arg5[%dma_wait3A_135, %dma_wait3A_141] : memref<26x128xi32, #tpu.memory_space<vmem>> -> memref<1x128xi32, #tpu.memory_space<vmem>>
    %dma_wait3A_143 = tpu.memref_squeeze %dma_wait3A_142 : memref<1x128xi32, #tpu.memory_space<vmem>> -> memref<128xi32, #tpu.memory_space<vmem>>
    %dma_wait3A_144 = arith.constant 0 : i32
    %dma_wait3A_145 = arith.constant 0 : i32
    %dma_wait3A_146 = tpu.memref_slice %arg3[%dma_wait3A_144, %dma_wait3A_145] : memref<100000x64xf32, #tpu.memory_space<hbm>> -> memref<100000x64xf32, #tpu.memory_space<hbm>>
    tpu.wait_indirect_dma semaphore(%arg7 : memref<!tpu.dma_semaphore, #tpu.memory_space<semaphore_mem>>) src(%dma_wait3A_146 : memref<100000x64xf32, #tpu.memory_space<hbm>>) dst(%dma_wait3A_140 : memref<128x64xf32, #tpu.memory_space<vmem>>)
    %add3A_147 = arith.constant 0 : i32
    %add3A_148 = arith.addi %mul3A_4, %add3A_147 : i32
    %dma_start3A_149 = arith.constant 0 : i32
    %dma_start3A_150 = arith.constant 0 : i32
    %dma_start3A_151 = arith.constant 0 : i32
    %dma_start3A_152 = tpu.memref_slice %arg6[%dma_start3A_149, %dma_start3A_150, %dma_start3A_151] : memref<2x512x64xf32, #tpu.memory_space<vmem>> -> memref<1x512x64xf32, #tpu.memory_space<vmem>>
    %dma_start3A_153 = tpu.memref_squeeze %dma_start3A_152 : memref<1x512x64xf32, #tpu.memory_space<vmem>> -> memref<512x64xf32, #tpu.memory_space<vmem>>
    %dma_start3A_154 = arith.constant 0 : i32
    %dma_start3A_155 = tpu.memref_slice %arg4[%add3A_148, %dma_start3A_154] : memref<106496x64xf32, #tpu.memory_space<hbm>> -> memref<512x64xf32, #tpu.memory_space<hbm>>
    %dma_start3A_156 = arith.constant 0 : i32
    %dma_start3A_157 = tpu.memref_slice %arg4[%add3A_148, %dma_start3A_156] : memref<106496x64xf32, #tpu.memory_space<hbm>> -> memref<512x64xf32, #tpu.memory_space<hbm>>
    %dma_start3A_158 = arith.constant 0 : i32
    %dma_start3A_159 = arith.constant 0 : i32
    %dma_start3A_160 = tpu.memref_slice %arg6[%dma_start3A_149, %dma_start3A_158, %dma_start3A_159] : memref<2x512x64xf32, #tpu.memory_space<vmem>> -> memref<1x512x64xf32, #tpu.memory_space<vmem>>
    %dma_start3A_161 = tpu.memref_squeeze %dma_start3A_160 : memref<1x512x64xf32, #tpu.memory_space<vmem>> -> memref<512x64xf32, #tpu.memory_space<vmem>>
    tpu.enqueue_dma source(%dma_start3A_161 : memref<512x64xf32, #tpu.memory_space<vmem>>) target(%dma_start3A_157 : memref<512x64xf32, #tpu.memory_space<hbm>>) target_semaphore(%arg9 : memref<!tpu.dma_semaphore, #tpu.memory_space<semaphore_mem>>)
    %dma_wait3A_162 = arith.constant 0 : i32
    %dma_wait3A_163 = arith.constant 0 : i32
    %dma_wait3A_164 = arith.constant 0 : i32
    %dma_wait3A_165 = tpu.memref_slice %arg6[%dma_wait3A_162, %dma_wait3A_163, %dma_wait3A_164] : memref<2x512x64xf32, #tpu.memory_space<vmem>> -> memref<1x512x64xf32, #tpu.memory_space<vmem>>
    %dma_wait3A_166 = tpu.memref_squeeze %dma_wait3A_165 : memref<1x512x64xf32, #tpu.memory_space<vmem>> -> memref<512x64xf32, #tpu.memory_space<vmem>>
    %dma_wait3A_167 = arith.constant 0 : i32
    %dma_wait3A_168 = tpu.memref_slice %arg4[%add3A_148, %dma_wait3A_167] : memref<106496x64xf32, #tpu.memory_space<hbm>> -> memref<512x64xf32, #tpu.memory_space<hbm>>
    %dma_wait3A_169 = arith.constant 0 : i32
    %dma_wait3A_170 = tpu.memref_slice %arg4[%add3A_148, %dma_wait3A_169] : memref<106496x64xf32, #tpu.memory_space<hbm>> -> memref<512x64xf32, #tpu.memory_space<hbm>>
    %dma_wait3A_171 = arith.constant 0 : i32
    %dma_wait3A_172 = arith.constant 0 : i32
    %dma_wait3A_173 = tpu.memref_slice %arg6[%dma_wait3A_162, %dma_wait3A_171, %dma_wait3A_172] : memref<2x512x64xf32, #tpu.memory_space<vmem>> -> memref<1x512x64xf32, #tpu.memory_space<vmem>>
    %dma_wait3A_174 = tpu.memref_squeeze %dma_wait3A_173 : memref<1x512x64xf32, #tpu.memory_space<vmem>> -> memref<512x64xf32, #tpu.memory_space<vmem>>
    tpu.wait_dma2 semaphore(%arg9 : memref<!tpu.dma_semaphore, #tpu.memory_space<semaphore_mem>>) src(%dma_wait3A_174 : memref<512x64xf32, #tpu.memory_space<vmem>>) dst(%dma_wait3A_170 : memref<512x64xf32, #tpu.memory_space<hbm>>)
    %dma_start3A_175 = arith.constant 8 : i32
    %dma_start3A_176 = arith.constant 0 : i32
    %dma_start3A_177 = arith.constant 0 : i32
    %dma_start3A_178 = arith.constant 0 : i32
    %dma_start3A_179 = tpu.memref_slice %arg6[%dma_start3A_176, %dma_start3A_177, %dma_start3A_178] : memref<2x512x64xf32, #tpu.memory_space<vmem>> -> memref<1x128x64xf32, #tpu.memory_space<vmem>>
    %dma_start3A_180 = tpu.memref_squeeze %dma_start3A_179 : memref<1x128x64xf32, #tpu.memory_space<vmem>> -> memref<128x64xf32, #tpu.memory_space<vmem>>
    %dma_start3A_181 = arith.constant 0 : i32
    %dma_start3A_182 = tpu.memref_slice %arg5[%dma_start3A_175, %dma_start3A_181] : memref<26x128xi32, #tpu.memory_space<vmem>> -> memref<1x128xi32, #tpu.memory_space<vmem>>
    %dma_start3A_183 = tpu.memref_squeeze %dma_start3A_182 : memref<1x128xi32, #tpu.memory_space<vmem>> -> memref<128xi32, #tpu.memory_space<vmem>>
    %dma_start3A_184 = arith.constant 0 : i32
    %dma_start3A_185 = arith.constant 0 : i32
    %dma_start3A_186 = tpu.memref_slice %arg3[%dma_start3A_184, %dma_start3A_185] : memref<100000x64xf32, #tpu.memory_space<hbm>> -> memref<100000x64xf32, #tpu.memory_space<hbm>>
    tpu.enqueue_indirect_dma source(%dma_start3A_186 : memref<100000x64xf32, #tpu.memory_space<hbm>>) target(%dma_start3A_180 : memref<128x64xf32, #tpu.memory_space<vmem>>) offsets(%dma_start3A_183 : memref<128xi32, #tpu.memory_space<vmem>>) semaphore(%arg7 : memref<!tpu.dma_semaphore, #tpu.memory_space<semaphore_mem>>)
    %dma_start3A_187 = arith.constant 9 : i32
    %dma_start3A_188 = arith.constant 0 : i32
    %dma_start3A_189 = arith.constant 128 : i32
    %dma_start3A_190 = arith.constant 0 : i32
    %dma_start3A_191 = tpu.memref_slice %arg6[%dma_start3A_188, %dma_start3A_189, %dma_start3A_190] : memref<2x512x64xf32, #tpu.memory_space<vmem>> -> memref<1x128x64xf32, #tpu.memory_space<vmem>>
    %dma_start3A_192 = tpu.memref_squeeze %dma_start3A_191 : memref<1x128x64xf32, #tpu.memory_space<vmem>> -> memref<128x64xf32, #tpu.memory_space<vmem>>
    %dma_start3A_193 = arith.constant 0 : i32
    %dma_start3A_194 = tpu.memref_slice %arg5[%dma_start3A_187, %dma_start3A_193] : memref<26x128xi32, #tpu.memory_space<vmem>> -> memref<1x128xi32, #tpu.memory_space<vmem>>
    %dma_start3A_195 = tpu.memref_squeeze %dma_start3A_194 : memref<1x128xi32, #tpu.memory_space<vmem>> -> memref<128xi32, #tpu.memory_space<vmem>>
    %dma_start3A_196 = arith.constant 0 : i32
    %dma_start3A_197 = arith.constant 0 : i32
    %dma_start3A_198 = tpu.memref_slice %arg3[%dma_start3A_196, %dma_start3A_197] : memref<100000x64xf32, #tpu.memory_space<hbm>> -> memref<100000x64xf32, #tpu.memory_space<hbm>>
    tpu.enqueue_indirect_dma source(%dma_start3A_198 : memref<100000x64xf32, #tpu.memory_space<hbm>>) target(%dma_start3A_192 : memref<128x64xf32, #tpu.memory_space<vmem>>) offsets(%dma_start3A_195 : memref<128xi32, #tpu.memory_space<vmem>>) semaphore(%arg7 : memref<!tpu.dma_semaphore, #tpu.memory_space<semaphore_mem>>)
    %dma_start3A_199 = arith.constant 10 : i32
    %dma_start3A_200 = arith.constant 0 : i32
    %dma_start3A_201 = arith.constant 256 : i32
    %dma_start3A_202 = arith.constant 0 : i32
    %dma_start3A_203 = tpu.memref_slice %arg6[%dma_start3A_200, %dma_start3A_201, %dma_start3A_202] : memref<2x512x64xf32, #tpu.memory_space<vmem>> -> memref<1x128x64xf32, #tpu.memory_space<vmem>>
    %dma_start3A_204 = tpu.memref_squeeze %dma_start3A_203 : memref<1x128x64xf32, #tpu.memory_space<vmem>> -> memref<128x64xf32, #tpu.memory_space<vmem>>
    %dma_start3A_205 = arith.constant 0 : i32
    %dma_start3A_206 = tpu.memref_slice %arg5[%dma_start3A_199, %dma_start3A_205] : memref<26x128xi32, #tpu.memory_space<vmem>> -> memref<1x128xi32, #tpu.memory_space<vmem>>
    %dma_start3A_207 = tpu.memref_squeeze %dma_start3A_206 : memref<1x128xi32, #tpu.memory_space<vmem>> -> memref<128xi32, #tpu.memory_space<vmem>>
    %dma_start3A_208 = arith.constant 0 : i32
    %dma_start3A_209 = arith.constant 0 : i32
    %dma_start3A_210 = tpu.memref_slice %arg3[%dma_start3A_208, %dma_start3A_209] : memref<100000x64xf32, #tpu.memory_space<hbm>> -> memref<100000x64xf32, #tpu.memory_space<hbm>>
    tpu.enqueue_indirect_dma source(%dma_start3A_210 : memref<100000x64xf32, #tpu.memory_space<hbm>>) target(%dma_start3A_204 : memref<128x64xf32, #tpu.memory_space<vmem>>) offsets(%dma_start3A_207 : memref<128xi32, #tpu.memory_space<vmem>>) semaphore(%arg7 : memref<!tpu.dma_semaphore, #tpu.memory_space<semaphore_mem>>)
    %dma_start3A_211 = arith.constant 11 : i32
    %dma_start3A_212 = arith.constant 0 : i32
    %dma_start3A_213 = arith.constant 384 : i32
    %dma_start3A_214 = arith.constant 0 : i32
    %dma_start3A_215 = tpu.memref_slice %arg6[%dma_start3A_212, %dma_start3A_213, %dma_start3A_214] : memref<2x512x64xf32, #tpu.memory_space<vmem>> -> memref<1x128x64xf32, #tpu.memory_space<vmem>>
    %dma_start3A_216 = tpu.memref_squeeze %dma_start3A_215 : memref<1x128x64xf32, #tpu.memory_space<vmem>> -> memref<128x64xf32, #tpu.memory_space<vmem>>
    %dma_start3A_217 = arith.constant 0 : i32
    %dma_start3A_218 = tpu.memref_slice %arg5[%dma_start3A_211, %dma_start3A_217] : memref<26x128xi32, #tpu.memory_space<vmem>> -> memref<1x128xi32, #tpu.memory_space<vmem>>
    %dma_start3A_219 = tpu.memref_squeeze %dma_start3A_218 : memref<1x128xi32, #tpu.memory_space<vmem>> -> memref<128xi32, #tpu.memory_space<vmem>>
    %dma_start3A_220 = arith.constant 0 : i32
    %dma_start3A_221 = arith.constant 0 : i32
    %dma_start3A_222 = tpu.memref_slice %arg3[%dma_start3A_220, %dma_start3A_221] : memref<100000x64xf32, #tpu.memory_space<hbm>> -> memref<100000x64xf32, #tpu.memory_space<hbm>>
    tpu.enqueue_indirect_dma source(%dma_start3A_222 : memref<100000x64xf32, #tpu.memory_space<hbm>>) target(%dma_start3A_216 : memref<128x64xf32, #tpu.memory_space<vmem>>) offsets(%dma_start3A_219 : memref<128xi32, #tpu.memory_space<vmem>>) semaphore(%arg7 : memref<!tpu.dma_semaphore, #tpu.memory_space<semaphore_mem>>)
    %dma_wait3A_223 = arith.constant 4 : i32
    %dma_wait3A_224 = arith.constant 1 : i32
    %dma_wait3A_225 = arith.constant 0 : i32
    %dma_wait3A_226 = arith.constant 0 : i32
    %dma_wait3A_227 = tpu.memref_slice %arg6[%dma_wait3A_224, %dma_wait3A_225, %dma_wait3A_226] : memref<2x512x64xf32, #tpu.memory_space<vmem>> -> memref<1x128x64xf32, #tpu.memory_space<vmem>>
    %dma_wait3A_228 = tpu.memref_squeeze %dma_wait3A_227 : memref<1x128x64xf32, #tpu.memory_space<vmem>> -> memref<128x64xf32, #tpu.memory_space<vmem>>
    %dma_wait3A_229 = arith.constant 0 : i32
    %dma_wait3A_230 = tpu.memref_slice %arg5[%dma_wait3A_223, %dma_wait3A_229] : memref<26x128xi32, #tpu.memory_space<vmem>> -> memref<1x128xi32, #tpu.memory_space<vmem>>
    %dma_wait3A_231 = tpu.memref_squeeze %dma_wait3A_230 : memref<1x128xi32, #tpu.memory_space<vmem>> -> memref<128xi32, #tpu.memory_space<vmem>>
    %dma_wait3A_232 = arith.constant 0 : i32
    %dma_wait3A_233 = arith.constant 0 : i32
    %dma_wait3A_234 = tpu.memref_slice %arg3[%dma_wait3A_232, %dma_wait3A_233] : memref<100000x64xf32, #tpu.memory_space<hbm>> -> memref<100000x64xf32, #tpu.memory_space<hbm>>
    tpu.wait_indirect_dma semaphore(%arg8 : memref<!tpu.dma_semaphore, #tpu.memory_space<semaphore_mem>>) src(%dma_wait3A_234 : memref<100000x64xf32, #tpu.memory_space<hbm>>) dst(%dma_wait3A_228 : memref<128x64xf32, #tpu.memory_space<vmem>>)
    %dma_wait3A_235 = arith.constant 5 : i32
    %dma_wait3A_236 = arith.constant 1 : i32
    %dma_wait3A_237 = arith.constant 128 : i32
    %dma_wait3A_238 = arith.constant 0 : i32
    %dma_wait3A_239 = tpu.memref_slice %arg6[%dma_wait3A_236, %dma_wait3A_237, %dma_wait3A_238] : memref<2x512x64xf32, #tpu.memory_space<vmem>> -> memref<1x128x64xf32, #tpu.memory_space<vmem>>
    %dma_wait3A_240 = tpu.memref_squeeze %dma_wait3A_239 : memref<1x128x64xf32, #tpu.memory_space<vmem>> -> memref<128x64xf32, #tpu.memory_space<vmem>>
    %dma_wait3A_241 = arith.constant 0 : i32
    %dma_wait3A_242 = tpu.memref_slice %arg5[%dma_wait3A_235, %dma_wait3A_241] : memref<26x128xi32, #tpu.memory_space<vmem>> -> memref<1x128xi32, #tpu.memory_space<vmem>>
    %dma_wait3A_243 = tpu.memref_squeeze %dma_wait3A_242 : memref<1x128xi32, #tpu.memory_space<vmem>> -> memref<128xi32, #tpu.memory_space<vmem>>
    %dma_wait3A_244 = arith.constant 0 : i32
    %dma_wait3A_245 = arith.constant 0 : i32
    %dma_wait3A_246 = tpu.memref_slice %arg3[%dma_wait3A_244, %dma_wait3A_245] : memref<100000x64xf32, #tpu.memory_space<hbm>> -> memref<100000x64xf32, #tpu.memory_space<hbm>>
    tpu.wait_indirect_dma semaphore(%arg8 : memref<!tpu.dma_semaphore, #tpu.memory_space<semaphore_mem>>) src(%dma_wait3A_246 : memref<100000x64xf32, #tpu.memory_space<hbm>>) dst(%dma_wait3A_240 : memref<128x64xf32, #tpu.memory_space<vmem>>)
    %dma_wait3A_247 = arith.constant 6 : i32
    %dma_wait3A_248 = arith.constant 1 : i32
    %dma_wait3A_249 = arith.constant 256 : i32
    %dma_wait3A_250 = arith.constant 0 : i32
    %dma_wait3A_251 = tpu.memref_slice %arg6[%dma_wait3A_248, %dma_wait3A_249, %dma_wait3A_250] : memref<2x512x64xf32, #tpu.memory_space<vmem>> -> memref<1x128x64xf32, #tpu.memory_space<vmem>>
    %dma_wait3A_252 = tpu.memref_squeeze %dma_wait3A_251 : memref<1x128x64xf32, #tpu.memory_space<vmem>> -> memref<128x64xf32, #tpu.memory_space<vmem>>
    %dma_wait3A_253 = arith.constant 0 : i32
    %dma_wait3A_254 = tpu.memref_slice %arg5[%dma_wait3A_247, %dma_wait3A_253] : memref<26x128xi32, #tpu.memory_space<vmem>> -> memref<1x128xi32, #tpu.memory_space<vmem>>
    %dma_wait3A_255 = tpu.memref_squeeze %dma_wait3A_254 : memref<1x128xi32, #tpu.memory_space<vmem>> -> memref<128xi32, #tpu.memory_space<vmem>>
    %dma_wait3A_256 = arith.constant 0 : i32
    %dma_wait3A_257 = arith.constant 0 : i32
    %dma_wait3A_258 = tpu.memref_slice %arg3[%dma_wait3A_256, %dma_wait3A_257] : memref<100000x64xf32, #tpu.memory_space<hbm>> -> memref<100000x64xf32, #tpu.memory_space<hbm>>
    tpu.wait_indirect_dma semaphore(%arg8 : memref<!tpu.dma_semaphore, #tpu.memory_space<semaphore_mem>>) src(%dma_wait3A_258 : memref<100000x64xf32, #tpu.memory_space<hbm>>) dst(%dma_wait3A_252 : memref<128x64xf32, #tpu.memory_space<vmem>>)
    %dma_wait3A_259 = arith.constant 7 : i32
    %dma_wait3A_260 = arith.constant 1 : i32
    %dma_wait3A_261 = arith.constant 384 : i32
    %dma_wait3A_262 = arith.constant 0 : i32
    %dma_wait3A_263 = tpu.memref_slice %arg6[%dma_wait3A_260, %dma_wait3A_261, %dma_wait3A_262] : memref<2x512x64xf32, #tpu.memory_space<vmem>> -> memref<1x128x64xf32, #tpu.memory_space<vmem>>
    %dma_wait3A_264 = tpu.memref_squeeze %dma_wait3A_263 : memref<1x128x64xf32, #tpu.memory_space<vmem>> -> memref<128x64xf32, #tpu.memory_space<vmem>>
    %dma_wait3A_265 = arith.constant 0 : i32
    %dma_wait3A_266 = tpu.memref_slice %arg5[%dma_wait3A_259, %dma_wait3A_265] : memref<26x128xi32, #tpu.memory_space<vmem>> -> memref<1x128xi32, #tpu.memory_space<vmem>>
    %dma_wait3A_267 = tpu.memref_squeeze %dma_wait3A_266 : memref<1x128xi32, #tpu.memory_space<vmem>> -> memref<128xi32, #tpu.memory_space<vmem>>
    %dma_wait3A_268 = arith.constant 0 : i32
    %dma_wait3A_269 = arith.constant 0 : i32
    %dma_wait3A_270 = tpu.memref_slice %arg3[%dma_wait3A_268, %dma_wait3A_269] : memref<100000x64xf32, #tpu.memory_space<hbm>> -> memref<100000x64xf32, #tpu.memory_space<hbm>>
    tpu.wait_indirect_dma semaphore(%arg8 : memref<!tpu.dma_semaphore, #tpu.memory_space<semaphore_mem>>) src(%dma_wait3A_270 : memref<100000x64xf32, #tpu.memory_space<hbm>>) dst(%dma_wait3A_264 : memref<128x64xf32, #tpu.memory_space<vmem>>)
    %add3A_271 = arith.constant 512 : i32
    %add3A_272 = arith.addi %mul3A_4, %add3A_271 : i32
    %dma_start3A_273 = arith.constant 1 : i32
    %dma_start3A_274 = arith.constant 0 : i32
    %dma_start3A_275 = arith.constant 0 : i32
    %dma_start3A_276 = tpu.memref_slice %arg6[%dma_start3A_273, %dma_start3A_274, %dma_start3A_275] : memref<2x512x64xf32, #tpu.memory_space<vmem>> -> memref<1x512x64xf32, #tpu.memory_space<vmem>>
    %dma_start3A_277 = tpu.memref_squeeze %dma_start3A_276 : memref<1x512x64xf32, #tpu.memory_space<vmem>> -> memref<512x64xf32, #tpu.memory_space<vmem>>
    %dma_start3A_278 = arith.constant 0 : i32
    %dma_start3A_279 = tpu.memref_slice %arg4[%add3A_272, %dma_start3A_278] : memref<106496x64xf32, #tpu.memory_space<hbm>> -> memref<512x64xf32, #tpu.memory_space<hbm>>
    %dma_start3A_280 = arith.constant 0 : i32
    %dma_start3A_281 = tpu.memref_slice %arg4[%add3A_272, %dma_start3A_280] : memref<106496x64xf32, #tpu.memory_space<hbm>> -> memref<512x64xf32, #tpu.memory_space<hbm>>
    %dma_start3A_282 = arith.constant 0 : i32
    %dma_start3A_283 = arith.constant 0 : i32
    %dma_start3A_284 = tpu.memref_slice %arg6[%dma_start3A_273, %dma_start3A_282, %dma_start3A_283] : memref<2x512x64xf32, #tpu.memory_space<vmem>> -> memref<1x512x64xf32, #tpu.memory_space<vmem>>
    %dma_start3A_285 = tpu.memref_squeeze %dma_start3A_284 : memref<1x512x64xf32, #tpu.memory_space<vmem>> -> memref<512x64xf32, #tpu.memory_space<vmem>>
    tpu.enqueue_dma source(%dma_start3A_285 : memref<512x64xf32, #tpu.memory_space<vmem>>) target(%dma_start3A_281 : memref<512x64xf32, #tpu.memory_space<hbm>>) target_semaphore(%arg10 : memref<!tpu.dma_semaphore, #tpu.memory_space<semaphore_mem>>)
    %dma_wait3A_286 = arith.constant 1 : i32
    %dma_wait3A_287 = arith.constant 0 : i32
    %dma_wait3A_288 = arith.constant 0 : i32
    %dma_wait3A_289 = tpu.memref_slice %arg6[%dma_wait3A_286, %dma_wait3A_287, %dma_wait3A_288] : memref<2x512x64xf32, #tpu.memory_space<vmem>> -> memref<1x512x64xf32, #tpu.memory_space<vmem>>
    %dma_wait3A_290 = tpu.memref_squeeze %dma_wait3A_289 : memref<1x512x64xf32, #tpu.memory_space<vmem>> -> memref<512x64xf32, #tpu.memory_space<vmem>>
    %dma_wait3A_291 = arith.constant 0 : i32
    %dma_wait3A_292 = tpu.memref_slice %arg4[%add3A_272, %dma_wait3A_291] : memref<106496x64xf32, #tpu.memory_space<hbm>> -> memref<512x64xf32, #tpu.memory_space<hbm>>
    %dma_wait3A_293 = arith.constant 0 : i32
    %dma_wait3A_294 = tpu.memref_slice %arg4[%add3A_272, %dma_wait3A_293] : memref<106496x64xf32, #tpu.memory_space<hbm>> -> memref<512x64xf32, #tpu.memory_space<hbm>>
    %dma_wait3A_295 = arith.constant 0 : i32
    %dma_wait3A_296 = arith.constant 0 : i32
    %dma_wait3A_297 = tpu.memref_slice %arg6[%dma_wait3A_286, %dma_wait3A_295, %dma_wait3A_296] : memref<2x512x64xf32, #tpu.memory_space<vmem>> -> memref<1x512x64xf32, #tpu.memory_space<vmem>>
    %dma_wait3A_298 = tpu.memref_squeeze %dma_wait3A_297 : memref<1x512x64xf32, #tpu.memory_space<vmem>> -> memref<512x64xf32, #tpu.memory_space<vmem>>
    tpu.wait_dma2 semaphore(%arg10 : memref<!tpu.dma_semaphore, #tpu.memory_space<semaphore_mem>>) src(%dma_wait3A_298 : memref<512x64xf32, #tpu.memory_space<vmem>>) dst(%dma_wait3A_294 : memref<512x64xf32, #tpu.memory_space<hbm>>)
    %dma_start3A_299 = arith.constant 12 : i32
    %dma_start3A_300 = arith.constant 1 : i32
    %dma_start3A_301 = arith.constant 0 : i32
    %dma_start3A_302 = arith.constant 0 : i32
    %dma_start3A_303 = tpu.memref_slice %arg6[%dma_start3A_300, %dma_start3A_301, %dma_start3A_302] : memref<2x512x64xf32, #tpu.memory_space<vmem>> -> memref<1x128x64xf32, #tpu.memory_space<vmem>>
    %dma_start3A_304 = tpu.memref_squeeze %dma_start3A_303 : memref<1x128x64xf32, #tpu.memory_space<vmem>> -> memref<128x64xf32, #tpu.memory_space<vmem>>
    %dma_start3A_305 = arith.constant 0 : i32
    %dma_start3A_306 = tpu.memref_slice %arg5[%dma_start3A_299, %dma_start3A_305] : memref<26x128xi32, #tpu.memory_space<vmem>> -> memref<1x128xi32, #tpu.memory_space<vmem>>
    %dma_start3A_307 = tpu.memref_squeeze %dma_start3A_306 : memref<1x128xi32, #tpu.memory_space<vmem>> -> memref<128xi32, #tpu.memory_space<vmem>>
    %dma_start3A_308 = arith.constant 0 : i32
    %dma_start3A_309 = arith.constant 0 : i32
    %dma_start3A_310 = tpu.memref_slice %arg3[%dma_start3A_308, %dma_start3A_309] : memref<100000x64xf32, #tpu.memory_space<hbm>> -> memref<100000x64xf32, #tpu.memory_space<hbm>>
    tpu.enqueue_indirect_dma source(%dma_start3A_310 : memref<100000x64xf32, #tpu.memory_space<hbm>>) target(%dma_start3A_304 : memref<128x64xf32, #tpu.memory_space<vmem>>) offsets(%dma_start3A_307 : memref<128xi32, #tpu.memory_space<vmem>>) semaphore(%arg8 : memref<!tpu.dma_semaphore, #tpu.memory_space<semaphore_mem>>)
    %dma_start3A_311 = arith.constant 13 : i32
    %dma_start3A_312 = arith.constant 1 : i32
    %dma_start3A_313 = arith.constant 128 : i32
    %dma_start3A_314 = arith.constant 0 : i32
    %dma_start3A_315 = tpu.memref_slice %arg6[%dma_start3A_312, %dma_start3A_313, %dma_start3A_314] : memref<2x512x64xf32, #tpu.memory_space<vmem>> -> memref<1x128x64xf32, #tpu.memory_space<vmem>>
    %dma_start3A_316 = tpu.memref_squeeze %dma_start3A_315 : memref<1x128x64xf32, #tpu.memory_space<vmem>> -> memref<128x64xf32, #tpu.memory_space<vmem>>
    %dma_start3A_317 = arith.constant 0 : i32
    %dma_start3A_318 = tpu.memref_slice %arg5[%dma_start3A_311, %dma_start3A_317] : memref<26x128xi32, #tpu.memory_space<vmem>> -> memref<1x128xi32, #tpu.memory_space<vmem>>
    %dma_start3A_319 = tpu.memref_squeeze %dma_start3A_318 : memref<1x128xi32, #tpu.memory_space<vmem>> -> memref<128xi32, #tpu.memory_space<vmem>>
    %dma_start3A_320 = arith.constant 0 : i32
    %dma_start3A_321 = arith.constant 0 : i32
    %dma_start3A_322 = tpu.memref_slice %arg3[%dma_start3A_320, %dma_start3A_321] : memref<100000x64xf32, #tpu.memory_space<hbm>> -> memref<100000x64xf32, #tpu.memory_space<hbm>>
    tpu.enqueue_indirect_dma source(%dma_start3A_322 : memref<100000x64xf32, #tpu.memory_space<hbm>>) target(%dma_start3A_316 : memref<128x64xf32, #tpu.memory_space<vmem>>) offsets(%dma_start3A_319 : memref<128xi32, #tpu.memory_space<vmem>>) semaphore(%arg8 : memref<!tpu.dma_semaphore, #tpu.memory_space<semaphore_mem>>)
    %dma_start3A_323 = arith.constant 14 : i32
    %dma_start3A_324 = arith.constant 1 : i32
    %dma_start3A_325 = arith.constant 256 : i32
    %dma_start3A_326 = arith.constant 0 : i32
    %dma_start3A_327 = tpu.memref_slice %arg6[%dma_start3A_324, %dma_start3A_325, %dma_start3A_326] : memref<2x512x64xf32, #tpu.memory_space<vmem>> -> memref<1x128x64xf32, #tpu.memory_space<vmem>>
    %dma_start3A_328 = tpu.memref_squeeze %dma_start3A_327 : memref<1x128x64xf32, #tpu.memory_space<vmem>> -> memref<128x64xf32, #tpu.memory_space<vmem>>
    %dma_start3A_329 = arith.constant 0 : i32
    %dma_start3A_330 = tpu.memref_slice %arg5[%dma_start3A_323, %dma_start3A_329] : memref<26x128xi32, #tpu.memory_space<vmem>> -> memref<1x128xi32, #tpu.memory_space<vmem>>
    %dma_start3A_331 = tpu.memref_squeeze %dma_start3A_330 : memref<1x128xi32, #tpu.memory_space<vmem>> -> memref<128xi32, #tpu.memory_space<vmem>>
    %dma_start3A_332 = arith.constant 0 : i32
    %dma_start3A_333 = arith.constant 0 : i32
    %dma_start3A_334 = tpu.memref_slice %arg3[%dma_start3A_332, %dma_start3A_333] : memref<100000x64xf32, #tpu.memory_space<hbm>> -> memref<100000x64xf32, #tpu.memory_space<hbm>>
    tpu.enqueue_indirect_dma source(%dma_start3A_334 : memref<100000x64xf32, #tpu.memory_space<hbm>>) target(%dma_start3A_328 : memref<128x64xf32, #tpu.memory_space<vmem>>) offsets(%dma_start3A_331 : memref<128xi32, #tpu.memory_space<vmem>>) semaphore(%arg8 : memref<!tpu.dma_semaphore, #tpu.memory_space<semaphore_mem>>)
    %dma_start3A_335 = arith.constant 15 : i32
    %dma_start3A_336 = arith.constant 1 : i32
    %dma_start3A_337 = arith.constant 384 : i32
    %dma_start3A_338 = arith.constant 0 : i32
    %dma_start3A_339 = tpu.memref_slice %arg6[%dma_start3A_336, %dma_start3A_337, %dma_start3A_338] : memref<2x512x64xf32, #tpu.memory_space<vmem>> -> memref<1x128x64xf32, #tpu.memory_space<vmem>>
    %dma_start3A_340 = tpu.memref_squeeze %dma_start3A_339 : memref<1x128x64xf32, #tpu.memory_space<vmem>> -> memref<128x64xf32, #tpu.memory_space<vmem>>
    %dma_start3A_341 = arith.constant 0 : i32
    %dma_start3A_342 = tpu.memref_slice %arg5[%dma_start3A_335, %dma_start3A_341] : memref<26x128xi32, #tpu.memory_space<vmem>> -> memref<1x128xi32, #tpu.memory_space<vmem>>
    %dma_start3A_343 = tpu.memref_squeeze %dma_start3A_342 : memref<1x128xi32, #tpu.memory_space<vmem>> -> memref<128xi32, #tpu.memory_space<vmem>>
    %dma_start3A_344 = arith.constant 0 : i32
    %dma_start3A_345 = arith.constant 0 : i32
    %dma_start3A_346 = tpu.memref_slice %arg3[%dma_start3A_344, %dma_start3A_345] : memref<100000x64xf32, #tpu.memory_space<hbm>> -> memref<100000x64xf32, #tpu.memory_space<hbm>>
    tpu.enqueue_indirect_dma source(%dma_start3A_346 : memref<100000x64xf32, #tpu.memory_space<hbm>>) target(%dma_start3A_340 : memref<128x64xf32, #tpu.memory_space<vmem>>) offsets(%dma_start3A_343 : memref<128xi32, #tpu.memory_space<vmem>>) semaphore(%arg8 : memref<!tpu.dma_semaphore, #tpu.memory_space<semaphore_mem>>)
    %dma_wait3A_347 = arith.constant 8 : i32
    %dma_wait3A_348 = arith.constant 0 : i32
    %dma_wait3A_349 = arith.constant 0 : i32
    %dma_wait3A_350 = arith.constant 0 : i32
    %dma_wait3A_351 = tpu.memref_slice %arg6[%dma_wait3A_348, %dma_wait3A_349, %dma_wait3A_350] : memref<2x512x64xf32, #tpu.memory_space<vmem>> -> memref<1x128x64xf32, #tpu.memory_space<vmem>>
    %dma_wait3A_352 = tpu.memref_squeeze %dma_wait3A_351 : memref<1x128x64xf32, #tpu.memory_space<vmem>> -> memref<128x64xf32, #tpu.memory_space<vmem>>
    %dma_wait3A_353 = arith.constant 0 : i32
    %dma_wait3A_354 = tpu.memref_slice %arg5[%dma_wait3A_347, %dma_wait3A_353] : memref<26x128xi32, #tpu.memory_space<vmem>> -> memref<1x128xi32, #tpu.memory_space<vmem>>
    %dma_wait3A_355 = tpu.memref_squeeze %dma_wait3A_354 : memref<1x128xi32, #tpu.memory_space<vmem>> -> memref<128xi32, #tpu.memory_space<vmem>>
    %dma_wait3A_356 = arith.constant 0 : i32
    %dma_wait3A_357 = arith.constant 0 : i32
    %dma_wait3A_358 = tpu.memref_slice %arg3[%dma_wait3A_356, %dma_wait3A_357] : memref<100000x64xf32, #tpu.memory_space<hbm>> -> memref<100000x64xf32, #tpu.memory_space<hbm>>
    tpu.wait_indirect_dma semaphore(%arg7 : memref<!tpu.dma_semaphore, #tpu.memory_space<semaphore_mem>>) src(%dma_wait3A_358 : memref<100000x64xf32, #tpu.memory_space<hbm>>) dst(%dma_wait3A_352 : memref<128x64xf32, #tpu.memory_space<vmem>>)
    %dma_wait3A_359 = arith.constant 9 : i32
    %dma_wait3A_360 = arith.constant 0 : i32
    %dma_wait3A_361 = arith.constant 128 : i32
    %dma_wait3A_362 = arith.constant 0 : i32
    %dma_wait3A_363 = tpu.memref_slice %arg6[%dma_wait3A_360, %dma_wait3A_361, %dma_wait3A_362] : memref<2x512x64xf32, #tpu.memory_space<vmem>> -> memref<1x128x64xf32, #tpu.memory_space<vmem>>
    %dma_wait3A_364 = tpu.memref_squeeze %dma_wait3A_363 : memref<1x128x64xf32, #tpu.memory_space<vmem>> -> memref<128x64xf32, #tpu.memory_space<vmem>>
    %dma_wait3A_365 = arith.constant 0 : i32
    %dma_wait3A_366 = tpu.memref_slice %arg5[%dma_wait3A_359, %dma_wait3A_365] : memref<26x128xi32, #tpu.memory_space<vmem>> -> memref<1x128xi32, #tpu.memory_space<vmem>>
    %dma_wait3A_367 = tpu.memref_squeeze %dma_wait3A_366 : memref<1x128xi32, #tpu.memory_space<vmem>> -> memref<128xi32, #tpu.memory_space<vmem>>
    %dma_wait3A_368 = arith.constant 0 : i32
    %dma_wait3A_369 = arith.constant 0 : i32
    %dma_wait3A_370 = tpu.memref_slice %arg3[%dma_wait3A_368, %dma_wait3A_369] : memref<100000x64xf32, #tpu.memory_space<hbm>> -> memref<100000x64xf32, #tpu.memory_space<hbm>>
    tpu.wait_indirect_dma semaphore(%arg7 : memref<!tpu.dma_semaphore, #tpu.memory_space<semaphore_mem>>) src(%dma_wait3A_370 : memref<100000x64xf32, #tpu.memory_space<hbm>>) dst(%dma_wait3A_364 : memref<128x64xf32, #tpu.memory_space<vmem>>)
    %dma_wait3A_371 = arith.constant 10 : i32
    %dma_wait3A_372 = arith.constant 0 : i32
    %dma_wait3A_373 = arith.constant 256 : i32
    %dma_wait3A_374 = arith.constant 0 : i32
    %dma_wait3A_375 = tpu.memref_slice %arg6[%dma_wait3A_372, %dma_wait3A_373, %dma_wait3A_374] : memref<2x512x64xf32, #tpu.memory_space<vmem>> -> memref<1x128x64xf32, #tpu.memory_space<vmem>>
    %dma_wait3A_376 = tpu.memref_squeeze %dma_wait3A_375 : memref<1x128x64xf32, #tpu.memory_space<vmem>> -> memref<128x64xf32, #tpu.memory_space<vmem>>
    %dma_wait3A_377 = arith.constant 0 : i32
    %dma_wait3A_378 = tpu.memref_slice %arg5[%dma_wait3A_371, %dma_wait3A_377] : memref<26x128xi32, #tpu.memory_space<vmem>> -> memref<1x128xi32, #tpu.memory_space<vmem>>
    %dma_wait3A_379 = tpu.memref_squeeze %dma_wait3A_378 : memref<1x128xi32, #tpu.memory_space<vmem>> -> memref<128xi32, #tpu.memory_space<vmem>>
    %dma_wait3A_380 = arith.constant 0 : i32
    %dma_wait3A_381 = arith.constant 0 : i32
    %dma_wait3A_382 = tpu.memref_slice %arg3[%dma_wait3A_380, %dma_wait3A_381] : memref<100000x64xf32, #tpu.memory_space<hbm>> -> memref<100000x64xf32, #tpu.memory_space<hbm>>
    tpu.wait_indirect_dma semaphore(%arg7 : memref<!tpu.dma_semaphore, #tpu.memory_space<semaphore_mem>>) src(%dma_wait3A_382 : memref<100000x64xf32, #tpu.memory_space<hbm>>) dst(%dma_wait3A_376 : memref<128x64xf32, #tpu.memory_space<vmem>>)
    %dma_wait3A_383 = arith.constant 11 : i32
    %dma_wait3A_384 = arith.constant 0 : i32
    %dma_wait3A_385 = arith.constant 384 : i32
    %dma_wait3A_386 = arith.constant 0 : i32
    %dma_wait3A_387 = tpu.memref_slice %arg6[%dma_wait3A_384, %dma_wait3A_385, %dma_wait3A_386] : memref<2x512x64xf32, #tpu.memory_space<vmem>> -> memref<1x128x64xf32, #tpu.memory_space<vmem>>
    %dma_wait3A_388 = tpu.memref_squeeze %dma_wait3A_387 : memref<1x128x64xf32, #tpu.memory_space<vmem>> -> memref<128x64xf32, #tpu.memory_space<vmem>>
    %dma_wait3A_389 = arith.constant 0 : i32
    %dma_wait3A_390 = tpu.memref_slice %arg5[%dma_wait3A_383, %dma_wait3A_389] : memref<26x128xi32, #tpu.memory_space<vmem>> -> memref<1x128xi32, #tpu.memory_space<vmem>>
    %dma_wait3A_391 = tpu.memref_squeeze %dma_wait3A_390 : memref<1x128xi32, #tpu.memory_space<vmem>> -> memref<128xi32, #tpu.memory_space<vmem>>
    %dma_wait3A_392 = arith.constant 0 : i32
    %dma_wait3A_393 = arith.constant 0 : i32
    %dma_wait3A_394 = tpu.memref_slice %arg3[%dma_wait3A_392, %dma_wait3A_393] : memref<100000x64xf32, #tpu.memory_space<hbm>> -> memref<100000x64xf32, #tpu.memory_space<hbm>>
    tpu.wait_indirect_dma semaphore(%arg7 : memref<!tpu.dma_semaphore, #tpu.memory_space<semaphore_mem>>) src(%dma_wait3A_394 : memref<100000x64xf32, #tpu.memory_space<hbm>>) dst(%dma_wait3A_388 : memref<128x64xf32, #tpu.memory_space<vmem>>)
    %add3A_395 = arith.constant 1024 : i32
    %add3A_396 = arith.addi %mul3A_4, %add3A_395 : i32
    %dma_start3A_397 = arith.constant 0 : i32
    %dma_start3A_398 = arith.constant 0 : i32
    %dma_start3A_399 = arith.constant 0 : i32
    %dma_start3A_400 = tpu.memref_slice %arg6[%dma_start3A_397, %dma_start3A_398, %dma_start3A_399] : memref<2x512x64xf32, #tpu.memory_space<vmem>> -> memref<1x512x64xf32, #tpu.memory_space<vmem>>
    %dma_start3A_401 = tpu.memref_squeeze %dma_start3A_400 : memref<1x512x64xf32, #tpu.memory_space<vmem>> -> memref<512x64xf32, #tpu.memory_space<vmem>>
    %dma_start3A_402 = arith.constant 0 : i32
    %dma_start3A_403 = tpu.memref_slice %arg4[%add3A_396, %dma_start3A_402] : memref<106496x64xf32, #tpu.memory_space<hbm>> -> memref<512x64xf32, #tpu.memory_space<hbm>>
    %dma_start3A_404 = arith.constant 0 : i32
    %dma_start3A_405 = tpu.memref_slice %arg4[%add3A_396, %dma_start3A_404] : memref<106496x64xf32, #tpu.memory_space<hbm>> -> memref<512x64xf32, #tpu.memory_space<hbm>>
    %dma_start3A_406 = arith.constant 0 : i32
    %dma_start3A_407 = arith.constant 0 : i32
    %dma_start3A_408 = tpu.memref_slice %arg6[%dma_start3A_397, %dma_start3A_406, %dma_start3A_407] : memref<2x512x64xf32, #tpu.memory_space<vmem>> -> memref<1x512x64xf32, #tpu.memory_space<vmem>>
    %dma_start3A_409 = tpu.memref_squeeze %dma_start3A_408 : memref<1x512x64xf32, #tpu.memory_space<vmem>> -> memref<512x64xf32, #tpu.memory_space<vmem>>
    tpu.enqueue_dma source(%dma_start3A_409 : memref<512x64xf32, #tpu.memory_space<vmem>>) target(%dma_start3A_405 : memref<512x64xf32, #tpu.memory_space<hbm>>) target_semaphore(%arg9 : memref<!tpu.dma_semaphore, #tpu.memory_space<semaphore_mem>>)
    %dma_wait3A_410 = arith.constant 0 : i32
    %dma_wait3A_411 = arith.constant 0 : i32
    %dma_wait3A_412 = arith.constant 0 : i32
    %dma_wait3A_413 = tpu.memref_slice %arg6[%dma_wait3A_410, %dma_wait3A_411, %dma_wait3A_412] : memref<2x512x64xf32, #tpu.memory_space<vmem>> -> memref<1x512x64xf32, #tpu.memory_space<vmem>>
    %dma_wait3A_414 = tpu.memref_squeeze %dma_wait3A_413 : memref<1x512x64xf32, #tpu.memory_space<vmem>> -> memref<512x64xf32, #tpu.memory_space<vmem>>
    %dma_wait3A_415 = arith.constant 0 : i32
    %dma_wait3A_416 = tpu.memref_slice %arg4[%add3A_396, %dma_wait3A_415] : memref<106496x64xf32, #tpu.memory_space<hbm>> -> memref<512x64xf32, #tpu.memory_space<hbm>>
    %dma_wait3A_417 = arith.constant 0 : i32
    %dma_wait3A_418 = tpu.memref_slice %arg4[%add3A_396, %dma_wait3A_417] : memref<106496x64xf32, #tpu.memory_space<hbm>> -> memref<512x64xf32, #tpu.memory_space<hbm>>
    %dma_wait3A_419 = arith.constant 0 : i32
    %dma_wait3A_420 = arith.constant 0 : i32
    %dma_wait3A_421 = tpu.memref_slice %arg6[%dma_wait3A_410, %dma_wait3A_419, %dma_wait3A_420] : memref<2x512x64xf32, #tpu.memory_space<vmem>> -> memref<1x512x64xf32, #tpu.memory_space<vmem>>
    %dma_wait3A_422 = tpu.memref_squeeze %dma_wait3A_421 : memref<1x512x64xf32, #tpu.memory_space<vmem>> -> memref<512x64xf32, #tpu.memory_space<vmem>>
    tpu.wait_dma2 semaphore(%arg9 : memref<!tpu.dma_semaphore, #tpu.memory_space<semaphore_mem>>) src(%dma_wait3A_422 : memref<512x64xf32, #tpu.memory_space<vmem>>) dst(%dma_wait3A_418 : memref<512x64xf32, #tpu.memory_space<hbm>>)
    %dma_start3A_423 = arith.constant 16 : i32
    %dma_start3A_424 = arith.constant 0 : i32
    %dma_start3A_425 = arith.constant 0 : i32
    %dma_start3A_426 = arith.constant 0 : i32
    %dma_start3A_427 = tpu.memref_slice %arg6[%dma_start3A_424, %dma_start3A_425, %dma_start3A_426] : memref<2x512x64xf32, #tpu.memory_space<vmem>> -> memref<1x128x64xf32, #tpu.memory_space<vmem>>
    %dma_start3A_428 = tpu.memref_squeeze %dma_start3A_427 : memref<1x128x64xf32, #tpu.memory_space<vmem>> -> memref<128x64xf32, #tpu.memory_space<vmem>>
    %dma_start3A_429 = arith.constant 0 : i32
    %dma_start3A_430 = tpu.memref_slice %arg5[%dma_start3A_423, %dma_start3A_429] : memref<26x128xi32, #tpu.memory_space<vmem>> -> memref<1x128xi32, #tpu.memory_space<vmem>>
    %dma_start3A_431 = tpu.memref_squeeze %dma_start3A_430 : memref<1x128xi32, #tpu.memory_space<vmem>> -> memref<128xi32, #tpu.memory_space<vmem>>
    %dma_start3A_432 = arith.constant 0 : i32
    %dma_start3A_433 = arith.constant 0 : i32
    %dma_start3A_434 = tpu.memref_slice %arg3[%dma_start3A_432, %dma_start3A_433] : memref<100000x64xf32, #tpu.memory_space<hbm>> -> memref<100000x64xf32, #tpu.memory_space<hbm>>
    tpu.enqueue_indirect_dma source(%dma_start3A_434 : memref<100000x64xf32, #tpu.memory_space<hbm>>) target(%dma_start3A_428 : memref<128x64xf32, #tpu.memory_space<vmem>>) offsets(%dma_start3A_431 : memref<128xi32, #tpu.memory_space<vmem>>) semaphore(%arg7 : memref<!tpu.dma_semaphore, #tpu.memory_space<semaphore_mem>>)
    %dma_start3A_435 = arith.constant 17 : i32
    %dma_start3A_436 = arith.constant 0 : i32
    %dma_start3A_437 = arith.constant 128 : i32
    %dma_start3A_438 = arith.constant 0 : i32
    %dma_start3A_439 = tpu.memref_slice %arg6[%dma_start3A_436, %dma_start3A_437, %dma_start3A_438] : memref<2x512x64xf32, #tpu.memory_space<vmem>> -> memref<1x128x64xf32, #tpu.memory_space<vmem>>
    %dma_start3A_440 = tpu.memref_squeeze %dma_start3A_439 : memref<1x128x64xf32, #tpu.memory_space<vmem>> -> memref<128x64xf32, #tpu.memory_space<vmem>>
    %dma_start3A_441 = arith.constant 0 : i32
    %dma_start3A_442 = tpu.memref_slice %arg5[%dma_start3A_435, %dma_start3A_441] : memref<26x128xi32, #tpu.memory_space<vmem>> -> memref<1x128xi32, #tpu.memory_space<vmem>>
    %dma_start3A_443 = tpu.memref_squeeze %dma_start3A_442 : memref<1x128xi32, #tpu.memory_space<vmem>> -> memref<128xi32, #tpu.memory_space<vmem>>
    %dma_start3A_444 = arith.constant 0 : i32
    %dma_start3A_445 = arith.constant 0 : i32
    %dma_start3A_446 = tpu.memref_slice %arg3[%dma_start3A_444, %dma_start3A_445] : memref<100000x64xf32, #tpu.memory_space<hbm>> -> memref<100000x64xf32, #tpu.memory_space<hbm>>
    tpu.enqueue_indirect_dma source(%dma_start3A_446 : memref<100000x64xf32, #tpu.memory_space<hbm>>) target(%dma_start3A_440 : memref<128x64xf32, #tpu.memory_space<vmem>>) offsets(%dma_start3A_443 : memref<128xi32, #tpu.memory_space<vmem>>) semaphore(%arg7 : memref<!tpu.dma_semaphore, #tpu.memory_space<semaphore_mem>>)
    %dma_start3A_447 = arith.constant 18 : i32
    %dma_start3A_448 = arith.constant 0 : i32
    %dma_start3A_449 = arith.constant 256 : i32
    %dma_start3A_450 = arith.constant 0 : i32
    %dma_start3A_451 = tpu.memref_slice %arg6[%dma_start3A_448, %dma_start3A_449, %dma_start3A_450] : memref<2x512x64xf32, #tpu.memory_space<vmem>> -> memref<1x128x64xf32, #tpu.memory_space<vmem>>
    %dma_start3A_452 = tpu.memref_squeeze %dma_start3A_451 : memref<1x128x64xf32, #tpu.memory_space<vmem>> -> memref<128x64xf32, #tpu.memory_space<vmem>>
    %dma_start3A_453 = arith.constant 0 : i32
    %dma_start3A_454 = tpu.memref_slice %arg5[%dma_start3A_447, %dma_start3A_453] : memref<26x128xi32, #tpu.memory_space<vmem>> -> memref<1x128xi32, #tpu.memory_space<vmem>>
    %dma_start3A_455 = tpu.memref_squeeze %dma_start3A_454 : memref<1x128xi32, #tpu.memory_space<vmem>> -> memref<128xi32, #tpu.memory_space<vmem>>
    %dma_start3A_456 = arith.constant 0 : i32
    %dma_start3A_457 = arith.constant 0 : i32
    %dma_start3A_458 = tpu.memref_slice %arg3[%dma_start3A_456, %dma_start3A_457] : memref<100000x64xf32, #tpu.memory_space<hbm>> -> memref<100000x64xf32, #tpu.memory_space<hbm>>
    tpu.enqueue_indirect_dma source(%dma_start3A_458 : memref<100000x64xf32, #tpu.memory_space<hbm>>) target(%dma_start3A_452 : memref<128x64xf32, #tpu.memory_space<vmem>>) offsets(%dma_start3A_455 : memref<128xi32, #tpu.memory_space<vmem>>) semaphore(%arg7 : memref<!tpu.dma_semaphore, #tpu.memory_space<semaphore_mem>>)
    %dma_start3A_459 = arith.constant 19 : i32
    %dma_start3A_460 = arith.constant 0 : i32
    %dma_start3A_461 = arith.constant 384 : i32
    %dma_start3A_462 = arith.constant 0 : i32
    %dma_start3A_463 = tpu.memref_slice %arg6[%dma_start3A_460, %dma_start3A_461, %dma_start3A_462] : memref<2x512x64xf32, #tpu.memory_space<vmem>> -> memref<1x128x64xf32, #tpu.memory_space<vmem>>
    %dma_start3A_464 = tpu.memref_squeeze %dma_start3A_463 : memref<1x128x64xf32, #tpu.memory_space<vmem>> -> memref<128x64xf32, #tpu.memory_space<vmem>>
    %dma_start3A_465 = arith.constant 0 : i32
    %dma_start3A_466 = tpu.memref_slice %arg5[%dma_start3A_459, %dma_start3A_465] : memref<26x128xi32, #tpu.memory_space<vmem>> -> memref<1x128xi32, #tpu.memory_space<vmem>>
    %dma_start3A_467 = tpu.memref_squeeze %dma_start3A_466 : memref<1x128xi32, #tpu.memory_space<vmem>> -> memref<128xi32, #tpu.memory_space<vmem>>
    %dma_start3A_468 = arith.constant 0 : i32
    %dma_start3A_469 = arith.constant 0 : i32
    %dma_start3A_470 = tpu.memref_slice %arg3[%dma_start3A_468, %dma_start3A_469] : memref<100000x64xf32, #tpu.memory_space<hbm>> -> memref<100000x64xf32, #tpu.memory_space<hbm>>
    tpu.enqueue_indirect_dma source(%dma_start3A_470 : memref<100000x64xf32, #tpu.memory_space<hbm>>) target(%dma_start3A_464 : memref<128x64xf32, #tpu.memory_space<vmem>>) offsets(%dma_start3A_467 : memref<128xi32, #tpu.memory_space<vmem>>) semaphore(%arg7 : memref<!tpu.dma_semaphore, #tpu.memory_space<semaphore_mem>>)
    %dma_wait3A_471 = arith.constant 12 : i32
    %dma_wait3A_472 = arith.constant 1 : i32
    %dma_wait3A_473 = arith.constant 0 : i32
    %dma_wait3A_474 = arith.constant 0 : i32
    %dma_wait3A_475 = tpu.memref_slice %arg6[%dma_wait3A_472, %dma_wait3A_473, %dma_wait3A_474] : memref<2x512x64xf32, #tpu.memory_space<vmem>> -> memref<1x128x64xf32, #tpu.memory_space<vmem>>
    %dma_wait3A_476 = tpu.memref_squeeze %dma_wait3A_475 : memref<1x128x64xf32, #tpu.memory_space<vmem>> -> memref<128x64xf32, #tpu.memory_space<vmem>>
    %dma_wait3A_477 = arith.constant 0 : i32
    %dma_wait3A_478 = tpu.memref_slice %arg5[%dma_wait3A_471, %dma_wait3A_477] : memref<26x128xi32, #tpu.memory_space<vmem>> -> memref<1x128xi32, #tpu.memory_space<vmem>>
    %dma_wait3A_479 = tpu.memref_squeeze %dma_wait3A_478 : memref<1x128xi32, #tpu.memory_space<vmem>> -> memref<128xi32, #tpu.memory_space<vmem>>
    %dma_wait3A_480 = arith.constant 0 : i32
    %dma_wait3A_481 = arith.constant 0 : i32
    %dma_wait3A_482 = tpu.memref_slice %arg3[%dma_wait3A_480, %dma_wait3A_481] : memref<100000x64xf32, #tpu.memory_space<hbm>> -> memref<100000x64xf32, #tpu.memory_space<hbm>>
    tpu.wait_indirect_dma semaphore(%arg8 : memref<!tpu.dma_semaphore, #tpu.memory_space<semaphore_mem>>) src(%dma_wait3A_482 : memref<100000x64xf32, #tpu.memory_space<hbm>>) dst(%dma_wait3A_476 : memref<128x64xf32, #tpu.memory_space<vmem>>)
    %dma_wait3A_483 = arith.constant 13 : i32
    %dma_wait3A_484 = arith.constant 1 : i32
    %dma_wait3A_485 = arith.constant 128 : i32
    %dma_wait3A_486 = arith.constant 0 : i32
    %dma_wait3A_487 = tpu.memref_slice %arg6[%dma_wait3A_484, %dma_wait3A_485, %dma_wait3A_486] : memref<2x512x64xf32, #tpu.memory_space<vmem>> -> memref<1x128x64xf32, #tpu.memory_space<vmem>>
    %dma_wait3A_488 = tpu.memref_squeeze %dma_wait3A_487 : memref<1x128x64xf32, #tpu.memory_space<vmem>> -> memref<128x64xf32, #tpu.memory_space<vmem>>
    %dma_wait3A_489 = arith.constant 0 : i32
    %dma_wait3A_490 = tpu.memref_slice %arg5[%dma_wait3A_483, %dma_wait3A_489] : memref<26x128xi32, #tpu.memory_space<vmem>> -> memref<1x128xi32, #tpu.memory_space<vmem>>
    %dma_wait3A_491 = tpu.memref_squeeze %dma_wait3A_490 : memref<1x128xi32, #tpu.memory_space<vmem>> -> memref<128xi32, #tpu.memory_space<vmem>>
    %dma_wait3A_492 = arith.constant 0 : i32
    %dma_wait3A_493 = arith.constant 0 : i32
    %dma_wait3A_494 = tpu.memref_slice %arg3[%dma_wait3A_492, %dma_wait3A_493] : memref<100000x64xf32, #tpu.memory_space<hbm>> -> memref<100000x64xf32, #tpu.memory_space<hbm>>
    tpu.wait_indirect_dma semaphore(%arg8 : memref<!tpu.dma_semaphore, #tpu.memory_space<semaphore_mem>>) src(%dma_wait3A_494 : memref<100000x64xf32, #tpu.memory_space<hbm>>) dst(%dma_wait3A_488 : memref<128x64xf32, #tpu.memory_space<vmem>>)
    %dma_wait3A_495 = arith.constant 14 : i32
    %dma_wait3A_496 = arith.constant 1 : i32
    %dma_wait3A_497 = arith.constant 256 : i32
    %dma_wait3A_498 = arith.constant 0 : i32
    %dma_wait3A_499 = tpu.memref_slice %arg6[%dma_wait3A_496, %dma_wait3A_497, %dma_wait3A_498] : memref<2x512x64xf32, #tpu.memory_space<vmem>> -> memref<1x128x64xf32, #tpu.memory_space<vmem>>
    %dma_wait3A_500 = tpu.memref_squeeze %dma_wait3A_499 : memref<1x128x64xf32, #tpu.memory_space<vmem>> -> memref<128x64xf32, #tpu.memory_space<vmem>>
    %dma_wait3A_501 = arith.constant 0 : i32
    %dma_wait3A_502 = tpu.memref_slice %arg5[%dma_wait3A_495, %dma_wait3A_501] : memref<26x128xi32, #tpu.memory_space<vmem>> -> memref<1x128xi32, #tpu.memory_space<vmem>>
    %dma_wait3A_503 = tpu.memref_squeeze %dma_wait3A_502 : memref<1x128xi32, #tpu.memory_space<vmem>> -> memref<128xi32, #tpu.memory_space<vmem>>
    %dma_wait3A_504 = arith.constant 0 : i32
    %dma_wait3A_505 = arith.constant 0 : i32
    %dma_wait3A_506 = tpu.memref_slice %arg3[%dma_wait3A_504, %dma_wait3A_505] : memref<100000x64xf32, #tpu.memory_space<hbm>> -> memref<100000x64xf32, #tpu.memory_space<hbm>>
    tpu.wait_indirect_dma semaphore(%arg8 : memref<!tpu.dma_semaphore, #tpu.memory_space<semaphore_mem>>) src(%dma_wait3A_506 : memref<100000x64xf32, #tpu.memory_space<hbm>>) dst(%dma_wait3A_500 : memref<128x64xf32, #tpu.memory_space<vmem>>)
    %dma_wait3A_507 = arith.constant 15 : i32
    %dma_wait3A_508 = arith.constant 1 : i32
    %dma_wait3A_509 = arith.constant 384 : i32
    %dma_wait3A_510 = arith.constant 0 : i32
    %dma_wait3A_511 = tpu.memref_slice %arg6[%dma_wait3A_508, %dma_wait3A_509, %dma_wait3A_510] : memref<2x512x64xf32, #tpu.memory_space<vmem>> -> memref<1x128x64xf32, #tpu.memory_space<vmem>>
    %dma_wait3A_512 = tpu.memref_squeeze %dma_wait3A_511 : memref<1x128x64xf32, #tpu.memory_space<vmem>> -> memref<128x64xf32, #tpu.memory_space<vmem>>
    %dma_wait3A_513 = arith.constant 0 : i32
    %dma_wait3A_514 = tpu.memref_slice %arg5[%dma_wait3A_507, %dma_wait3A_513] : memref<26x128xi32, #tpu.memory_space<vmem>> -> memref<1x128xi32, #tpu.memory_space<vmem>>
    %dma_wait3A_515 = tpu.memref_squeeze %dma_wait3A_514 : memref<1x128xi32, #tpu.memory_space<vmem>> -> memref<128xi32, #tpu.memory_space<vmem>>
    %dma_wait3A_516 = arith.constant 0 : i32
    %dma_wait3A_517 = arith.constant 0 : i32
    %dma_wait3A_518 = tpu.memref_slice %arg3[%dma_wait3A_516, %dma_wait3A_517] : memref<100000x64xf32, #tpu.memory_space<hbm>> -> memref<100000x64xf32, #tpu.memory_space<hbm>>
    tpu.wait_indirect_dma semaphore(%arg8 : memref<!tpu.dma_semaphore, #tpu.memory_space<semaphore_mem>>) src(%dma_wait3A_518 : memref<100000x64xf32, #tpu.memory_space<hbm>>) dst(%dma_wait3A_512 : memref<128x64xf32, #tpu.memory_space<vmem>>)
    %add3A_519 = arith.constant 1536 : i32
    %add3A_520 = arith.addi %mul3A_4, %add3A_519 : i32
    %dma_start3A_521 = arith.constant 1 : i32
    %dma_start3A_522 = arith.constant 0 : i32
    %dma_start3A_523 = arith.constant 0 : i32
    %dma_start3A_524 = tpu.memref_slice %arg6[%dma_start3A_521, %dma_start3A_522, %dma_start3A_523] : memref<2x512x64xf32, #tpu.memory_space<vmem>> -> memref<1x512x64xf32, #tpu.memory_space<vmem>>
    %dma_start3A_525 = tpu.memref_squeeze %dma_start3A_524 : memref<1x512x64xf32, #tpu.memory_space<vmem>> -> memref<512x64xf32, #tpu.memory_space<vmem>>
    %dma_start3A_526 = arith.constant 0 : i32
    %dma_start3A_527 = tpu.memref_slice %arg4[%add3A_520, %dma_start3A_526] : memref<106496x64xf32, #tpu.memory_space<hbm>> -> memref<512x64xf32, #tpu.memory_space<hbm>>
    %dma_start3A_528 = arith.constant 0 : i32
    %dma_start3A_529 = tpu.memref_slice %arg4[%add3A_520, %dma_start3A_528] : memref<106496x64xf32, #tpu.memory_space<hbm>> -> memref<512x64xf32, #tpu.memory_space<hbm>>
    %dma_start3A_530 = arith.constant 0 : i32
    %dma_start3A_531 = arith.constant 0 : i32
    %dma_start3A_532 = tpu.memref_slice %arg6[%dma_start3A_521, %dma_start3A_530, %dma_start3A_531] : memref<2x512x64xf32, #tpu.memory_space<vmem>> -> memref<1x512x64xf32, #tpu.memory_space<vmem>>
    %dma_start3A_533 = tpu.memref_squeeze %dma_start3A_532 : memref<1x512x64xf32, #tpu.memory_space<vmem>> -> memref<512x64xf32, #tpu.memory_space<vmem>>
    tpu.enqueue_dma source(%dma_start3A_533 : memref<512x64xf32, #tpu.memory_space<vmem>>) target(%dma_start3A_529 : memref<512x64xf32, #tpu.memory_space<hbm>>) target_semaphore(%arg10 : memref<!tpu.dma_semaphore, #tpu.memory_space<semaphore_mem>>)
    %dma_wait3A_534 = arith.constant 1 : i32
    %dma_wait3A_535 = arith.constant 0 : i32
    %dma_wait3A_536 = arith.constant 0 : i32
    %dma_wait3A_537 = tpu.memref_slice %arg6[%dma_wait3A_534, %dma_wait3A_535, %dma_wait3A_536] : memref<2x512x64xf32, #tpu.memory_space<vmem>> -> memref<1x512x64xf32, #tpu.memory_space<vmem>>
    %dma_wait3A_538 = tpu.memref_squeeze %dma_wait3A_537 : memref<1x512x64xf32, #tpu.memory_space<vmem>> -> memref<512x64xf32, #tpu.memory_space<vmem>>
    %dma_wait3A_539 = arith.constant 0 : i32
    %dma_wait3A_540 = tpu.memref_slice %arg4[%add3A_520, %dma_wait3A_539] : memref<106496x64xf32, #tpu.memory_space<hbm>> -> memref<512x64xf32, #tpu.memory_space<hbm>>
    %dma_wait3A_541 = arith.constant 0 : i32
    %dma_wait3A_542 = tpu.memref_slice %arg4[%add3A_520, %dma_wait3A_541] : memref<106496x64xf32, #tpu.memory_space<hbm>> -> memref<512x64xf32, #tpu.memory_space<hbm>>
    %dma_wait3A_543 = arith.constant 0 : i32
    %dma_wait3A_544 = arith.constant 0 : i32
    %dma_wait3A_545 = tpu.memref_slice %arg6[%dma_wait3A_534, %dma_wait3A_543, %dma_wait3A_544] : memref<2x512x64xf32, #tpu.memory_space<vmem>> -> memref<1x512x64xf32, #tpu.memory_space<vmem>>
    %dma_wait3A_546 = tpu.memref_squeeze %dma_wait3A_545 : memref<1x512x64xf32, #tpu.memory_space<vmem>> -> memref<512x64xf32, #tpu.memory_space<vmem>>
    tpu.wait_dma2 semaphore(%arg10 : memref<!tpu.dma_semaphore, #tpu.memory_space<semaphore_mem>>) src(%dma_wait3A_546 : memref<512x64xf32, #tpu.memory_space<vmem>>) dst(%dma_wait3A_542 : memref<512x64xf32, #tpu.memory_space<hbm>>)
    %dma_start3A_547 = arith.constant 20 : i32
    %dma_start3A_548 = arith.constant 1 : i32
    %dma_start3A_549 = arith.constant 0 : i32
    %dma_start3A_550 = arith.constant 0 : i32
    %dma_start3A_551 = tpu.memref_slice %arg6[%dma_start3A_548, %dma_start3A_549, %dma_start3A_550] : memref<2x512x64xf32, #tpu.memory_space<vmem>> -> memref<1x128x64xf32, #tpu.memory_space<vmem>>
    %dma_start3A_552 = tpu.memref_squeeze %dma_start3A_551 : memref<1x128x64xf32, #tpu.memory_space<vmem>> -> memref<128x64xf32, #tpu.memory_space<vmem>>
    %dma_start3A_553 = arith.constant 0 : i32
    %dma_start3A_554 = tpu.memref_slice %arg5[%dma_start3A_547, %dma_start3A_553] : memref<26x128xi32, #tpu.memory_space<vmem>> -> memref<1x128xi32, #tpu.memory_space<vmem>>
    %dma_start3A_555 = tpu.memref_squeeze %dma_start3A_554 : memref<1x128xi32, #tpu.memory_space<vmem>> -> memref<128xi32, #tpu.memory_space<vmem>>
    %dma_start3A_556 = arith.constant 0 : i32
    %dma_start3A_557 = arith.constant 0 : i32
    %dma_start3A_558 = tpu.memref_slice %arg3[%dma_start3A_556, %dma_start3A_557] : memref<100000x64xf32, #tpu.memory_space<hbm>> -> memref<100000x64xf32, #tpu.memory_space<hbm>>
    tpu.enqueue_indirect_dma source(%dma_start3A_558 : memref<100000x64xf32, #tpu.memory_space<hbm>>) target(%dma_start3A_552 : memref<128x64xf32, #tpu.memory_space<vmem>>) offsets(%dma_start3A_555 : memref<128xi32, #tpu.memory_space<vmem>>) semaphore(%arg8 : memref<!tpu.dma_semaphore, #tpu.memory_space<semaphore_mem>>)
    %dma_start3A_559 = arith.constant 21 : i32
    %dma_start3A_560 = arith.constant 1 : i32
    %dma_start3A_561 = arith.constant 128 : i32
    %dma_start3A_562 = arith.constant 0 : i32
    %dma_start3A_563 = tpu.memref_slice %arg6[%dma_start3A_560, %dma_start3A_561, %dma_start3A_562] : memref<2x512x64xf32, #tpu.memory_space<vmem>> -> memref<1x128x64xf32, #tpu.memory_space<vmem>>
    %dma_start3A_564 = tpu.memref_squeeze %dma_start3A_563 : memref<1x128x64xf32, #tpu.memory_space<vmem>> -> memref<128x64xf32, #tpu.memory_space<vmem>>
    %dma_start3A_565 = arith.constant 0 : i32
    %dma_start3A_566 = tpu.memref_slice %arg5[%dma_start3A_559, %dma_start3A_565] : memref<26x128xi32, #tpu.memory_space<vmem>> -> memref<1x128xi32, #tpu.memory_space<vmem>>
    %dma_start3A_567 = tpu.memref_squeeze %dma_start3A_566 : memref<1x128xi32, #tpu.memory_space<vmem>> -> memref<128xi32, #tpu.memory_space<vmem>>
    %dma_start3A_568 = arith.constant 0 : i32
    %dma_start3A_569 = arith.constant 0 : i32
    %dma_start3A_570 = tpu.memref_slice %arg3[%dma_start3A_568, %dma_start3A_569] : memref<100000x64xf32, #tpu.memory_space<hbm>> -> memref<100000x64xf32, #tpu.memory_space<hbm>>
    tpu.enqueue_indirect_dma source(%dma_start3A_570 : memref<100000x64xf32, #tpu.memory_space<hbm>>) target(%dma_start3A_564 : memref<128x64xf32, #tpu.memory_space<vmem>>) offsets(%dma_start3A_567 : memref<128xi32, #tpu.memory_space<vmem>>) semaphore(%arg8 : memref<!tpu.dma_semaphore, #tpu.memory_space<semaphore_mem>>)
    %dma_start3A_571 = arith.constant 22 : i32
    %dma_start3A_572 = arith.constant 1 : i32
    %dma_start3A_573 = arith.constant 256 : i32
    %dma_start3A_574 = arith.constant 0 : i32
    %dma_start3A_575 = tpu.memref_slice %arg6[%dma_start3A_572, %dma_start3A_573, %dma_start3A_574] : memref<2x512x64xf32, #tpu.memory_space<vmem>> -> memref<1x128x64xf32, #tpu.memory_space<vmem>>
    %dma_start3A_576 = tpu.memref_squeeze %dma_start3A_575 : memref<1x128x64xf32, #tpu.memory_space<vmem>> -> memref<128x64xf32, #tpu.memory_space<vmem>>
    %dma_start3A_577 = arith.constant 0 : i32
    %dma_start3A_578 = tpu.memref_slice %arg5[%dma_start3A_571, %dma_start3A_577] : memref<26x128xi32, #tpu.memory_space<vmem>> -> memref<1x128xi32, #tpu.memory_space<vmem>>
    %dma_start3A_579 = tpu.memref_squeeze %dma_start3A_578 : memref<1x128xi32, #tpu.memory_space<vmem>> -> memref<128xi32, #tpu.memory_space<vmem>>
    %dma_start3A_580 = arith.constant 0 : i32
    %dma_start3A_581 = arith.constant 0 : i32
    %dma_start3A_582 = tpu.memref_slice %arg3[%dma_start3A_580, %dma_start3A_581] : memref<100000x64xf32, #tpu.memory_space<hbm>> -> memref<100000x64xf32, #tpu.memory_space<hbm>>
    tpu.enqueue_indirect_dma source(%dma_start3A_582 : memref<100000x64xf32, #tpu.memory_space<hbm>>) target(%dma_start3A_576 : memref<128x64xf32, #tpu.memory_space<vmem>>) offsets(%dma_start3A_579 : memref<128xi32, #tpu.memory_space<vmem>>) semaphore(%arg8 : memref<!tpu.dma_semaphore, #tpu.memory_space<semaphore_mem>>)
    %dma_start3A_583 = arith.constant 23 : i32
    %dma_start3A_584 = arith.constant 1 : i32
    %dma_start3A_585 = arith.constant 384 : i32
    %dma_start3A_586 = arith.constant 0 : i32
    %dma_start3A_587 = tpu.memref_slice %arg6[%dma_start3A_584, %dma_start3A_585, %dma_start3A_586] : memref<2x512x64xf32, #tpu.memory_space<vmem>> -> memref<1x128x64xf32, #tpu.memory_space<vmem>>
    %dma_start3A_588 = tpu.memref_squeeze %dma_start3A_587 : memref<1x128x64xf32, #tpu.memory_space<vmem>> -> memref<128x64xf32, #tpu.memory_space<vmem>>
    %dma_start3A_589 = arith.constant 0 : i32
    %dma_start3A_590 = tpu.memref_slice %arg5[%dma_start3A_583, %dma_start3A_589] : memref<26x128xi32, #tpu.memory_space<vmem>> -> memref<1x128xi32, #tpu.memory_space<vmem>>
    %dma_start3A_591 = tpu.memref_squeeze %dma_start3A_590 : memref<1x128xi32, #tpu.memory_space<vmem>> -> memref<128xi32, #tpu.memory_space<vmem>>
    %dma_start3A_592 = arith.constant 0 : i32
    %dma_start3A_593 = arith.constant 0 : i32
    %dma_start3A_594 = tpu.memref_slice %arg3[%dma_start3A_592, %dma_start3A_593] : memref<100000x64xf32, #tpu.memory_space<hbm>> -> memref<100000x64xf32, #tpu.memory_space<hbm>>
    tpu.enqueue_indirect_dma source(%dma_start3A_594 : memref<100000x64xf32, #tpu.memory_space<hbm>>) target(%dma_start3A_588 : memref<128x64xf32, #tpu.memory_space<vmem>>) offsets(%dma_start3A_591 : memref<128xi32, #tpu.memory_space<vmem>>) semaphore(%arg8 : memref<!tpu.dma_semaphore, #tpu.memory_space<semaphore_mem>>)
    %dma_wait3A_595 = arith.constant 16 : i32
    %dma_wait3A_596 = arith.constant 0 : i32
    %dma_wait3A_597 = arith.constant 0 : i32
    %dma_wait3A_598 = arith.constant 0 : i32
    %dma_wait3A_599 = tpu.memref_slice %arg6[%dma_wait3A_596, %dma_wait3A_597, %dma_wait3A_598] : memref<2x512x64xf32, #tpu.memory_space<vmem>> -> memref<1x128x64xf32, #tpu.memory_space<vmem>>
    %dma_wait3A_600 = tpu.memref_squeeze %dma_wait3A_599 : memref<1x128x64xf32, #tpu.memory_space<vmem>> -> memref<128x64xf32, #tpu.memory_space<vmem>>
    %dma_wait3A_601 = arith.constant 0 : i32
    %dma_wait3A_602 = tpu.memref_slice %arg5[%dma_wait3A_595, %dma_wait3A_601] : memref<26x128xi32, #tpu.memory_space<vmem>> -> memref<1x128xi32, #tpu.memory_space<vmem>>
    %dma_wait3A_603 = tpu.memref_squeeze %dma_wait3A_602 : memref<1x128xi32, #tpu.memory_space<vmem>> -> memref<128xi32, #tpu.memory_space<vmem>>
    %dma_wait3A_604 = arith.constant 0 : i32
    %dma_wait3A_605 = arith.constant 0 : i32
    %dma_wait3A_606 = tpu.memref_slice %arg3[%dma_wait3A_604, %dma_wait3A_605] : memref<100000x64xf32, #tpu.memory_space<hbm>> -> memref<100000x64xf32, #tpu.memory_space<hbm>>
    tpu.wait_indirect_dma semaphore(%arg7 : memref<!tpu.dma_semaphore, #tpu.memory_space<semaphore_mem>>) src(%dma_wait3A_606 : memref<100000x64xf32, #tpu.memory_space<hbm>>) dst(%dma_wait3A_600 : memref<128x64xf32, #tpu.memory_space<vmem>>)
    %dma_wait3A_607 = arith.constant 17 : i32
    %dma_wait3A_608 = arith.constant 0 : i32
    %dma_wait3A_609 = arith.constant 128 : i32
    %dma_wait3A_610 = arith.constant 0 : i32
    %dma_wait3A_611 = tpu.memref_slice %arg6[%dma_wait3A_608, %dma_wait3A_609, %dma_wait3A_610] : memref<2x512x64xf32, #tpu.memory_space<vmem>> -> memref<1x128x64xf32, #tpu.memory_space<vmem>>
    %dma_wait3A_612 = tpu.memref_squeeze %dma_wait3A_611 : memref<1x128x64xf32, #tpu.memory_space<vmem>> -> memref<128x64xf32, #tpu.memory_space<vmem>>
    %dma_wait3A_613 = arith.constant 0 : i32
    %dma_wait3A_614 = tpu.memref_slice %arg5[%dma_wait3A_607, %dma_wait3A_613] : memref<26x128xi32, #tpu.memory_space<vmem>> -> memref<1x128xi32, #tpu.memory_space<vmem>>
    %dma_wait3A_615 = tpu.memref_squeeze %dma_wait3A_614 : memref<1x128xi32, #tpu.memory_space<vmem>> -> memref<128xi32, #tpu.memory_space<vmem>>
    %dma_wait3A_616 = arith.constant 0 : i32
    %dma_wait3A_617 = arith.constant 0 : i32
    %dma_wait3A_618 = tpu.memref_slice %arg3[%dma_wait3A_616, %dma_wait3A_617] : memref<100000x64xf32, #tpu.memory_space<hbm>> -> memref<100000x64xf32, #tpu.memory_space<hbm>>
    tpu.wait_indirect_dma semaphore(%arg7 : memref<!tpu.dma_semaphore, #tpu.memory_space<semaphore_mem>>) src(%dma_wait3A_618 : memref<100000x64xf32, #tpu.memory_space<hbm>>) dst(%dma_wait3A_612 : memref<128x64xf32, #tpu.memory_space<vmem>>)
    %dma_wait3A_619 = arith.constant 18 : i32
    %dma_wait3A_620 = arith.constant 0 : i32
    %dma_wait3A_621 = arith.constant 256 : i32
    %dma_wait3A_622 = arith.constant 0 : i32
    %dma_wait3A_623 = tpu.memref_slice %arg6[%dma_wait3A_620, %dma_wait3A_621, %dma_wait3A_622] : memref<2x512x64xf32, #tpu.memory_space<vmem>> -> memref<1x128x64xf32, #tpu.memory_space<vmem>>
    %dma_wait3A_624 = tpu.memref_squeeze %dma_wait3A_623 : memref<1x128x64xf32, #tpu.memory_space<vmem>> -> memref<128x64xf32, #tpu.memory_space<vmem>>
    %dma_wait3A_625 = arith.constant 0 : i32
    %dma_wait3A_626 = tpu.memref_slice %arg5[%dma_wait3A_619, %dma_wait3A_625] : memref<26x128xi32, #tpu.memory_space<vmem>> -> memref<1x128xi32, #tpu.memory_space<vmem>>
    %dma_wait3A_627 = tpu.memref_squeeze %dma_wait3A_626 : memref<1x128xi32, #tpu.memory_space<vmem>> -> memref<128xi32, #tpu.memory_space<vmem>>
    %dma_wait3A_628 = arith.constant 0 : i32
    %dma_wait3A_629 = arith.constant 0 : i32
    %dma_wait3A_630 = tpu.memref_slice %arg3[%dma_wait3A_628, %dma_wait3A_629] : memref<100000x64xf32, #tpu.memory_space<hbm>> -> memref<100000x64xf32, #tpu.memory_space<hbm>>
    tpu.wait_indirect_dma semaphore(%arg7 : memref<!tpu.dma_semaphore, #tpu.memory_space<semaphore_mem>>) src(%dma_wait3A_630 : memref<100000x64xf32, #tpu.memory_space<hbm>>) dst(%dma_wait3A_624 : memref<128x64xf32, #tpu.memory_space<vmem>>)
    %dma_wait3A_631 = arith.constant 19 : i32
    %dma_wait3A_632 = arith.constant 0 : i32
    %dma_wait3A_633 = arith.constant 384 : i32
    %dma_wait3A_634 = arith.constant 0 : i32
    %dma_wait3A_635 = tpu.memref_slice %arg6[%dma_wait3A_632, %dma_wait3A_633, %dma_wait3A_634] : memref<2x512x64xf32, #tpu.memory_space<vmem>> -> memref<1x128x64xf32, #tpu.memory_space<vmem>>
    %dma_wait3A_636 = tpu.memref_squeeze %dma_wait3A_635 : memref<1x128x64xf32, #tpu.memory_space<vmem>> -> memref<128x64xf32, #tpu.memory_space<vmem>>
    %dma_wait3A_637 = arith.constant 0 : i32
    %dma_wait3A_638 = tpu.memref_slice %arg5[%dma_wait3A_631, %dma_wait3A_637] : memref<26x128xi32, #tpu.memory_space<vmem>> -> memref<1x128xi32, #tpu.memory_space<vmem>>
    %dma_wait3A_639 = tpu.memref_squeeze %dma_wait3A_638 : memref<1x128xi32, #tpu.memory_space<vmem>> -> memref<128xi32, #tpu.memory_space<vmem>>
    %dma_wait3A_640 = arith.constant 0 : i32
    %dma_wait3A_641 = arith.constant 0 : i32
    %dma_wait3A_642 = tpu.memref_slice %arg3[%dma_wait3A_640, %dma_wait3A_641] : memref<100000x64xf32, #tpu.memory_space<hbm>> -> memref<100000x64xf32, #tpu.memory_space<hbm>>
    tpu.wait_indirect_dma semaphore(%arg7 : memref<!tpu.dma_semaphore, #tpu.memory_space<semaphore_mem>>) src(%dma_wait3A_642 : memref<100000x64xf32, #tpu.memory_space<hbm>>) dst(%dma_wait3A_636 : memref<128x64xf32, #tpu.memory_space<vmem>>)
    %add3A_643 = arith.constant 2048 : i32
    %add3A_644 = arith.addi %mul3A_4, %add3A_643 : i32
    %dma_start3A_645 = arith.constant 0 : i32
    %dma_start3A_646 = arith.constant 0 : i32
    %dma_start3A_647 = arith.constant 0 : i32
    %dma_start3A_648 = tpu.memref_slice %arg6[%dma_start3A_645, %dma_start3A_646, %dma_start3A_647] : memref<2x512x64xf32, #tpu.memory_space<vmem>> -> memref<1x512x64xf32, #tpu.memory_space<vmem>>
    %dma_start3A_649 = tpu.memref_squeeze %dma_start3A_648 : memref<1x512x64xf32, #tpu.memory_space<vmem>> -> memref<512x64xf32, #tpu.memory_space<vmem>>
    %dma_start3A_650 = arith.constant 0 : i32
    %dma_start3A_651 = tpu.memref_slice %arg4[%add3A_644, %dma_start3A_650] : memref<106496x64xf32, #tpu.memory_space<hbm>> -> memref<512x64xf32, #tpu.memory_space<hbm>>
    %dma_start3A_652 = arith.constant 0 : i32
    %dma_start3A_653 = tpu.memref_slice %arg4[%add3A_644, %dma_start3A_652] : memref<106496x64xf32, #tpu.memory_space<hbm>> -> memref<512x64xf32, #tpu.memory_space<hbm>>
    %dma_start3A_654 = arith.constant 0 : i32
    %dma_start3A_655 = arith.constant 0 : i32
    %dma_start3A_656 = tpu.memref_slice %arg6[%dma_start3A_645, %dma_start3A_654, %dma_start3A_655] : memref<2x512x64xf32, #tpu.memory_space<vmem>> -> memref<1x512x64xf32, #tpu.memory_space<vmem>>
    %dma_start3A_657 = tpu.memref_squeeze %dma_start3A_656 : memref<1x512x64xf32, #tpu.memory_space<vmem>> -> memref<512x64xf32, #tpu.memory_space<vmem>>
    tpu.enqueue_dma source(%dma_start3A_657 : memref<512x64xf32, #tpu.memory_space<vmem>>) target(%dma_start3A_653 : memref<512x64xf32, #tpu.memory_space<hbm>>) target_semaphore(%arg9 : memref<!tpu.dma_semaphore, #tpu.memory_space<semaphore_mem>>)
    %dma_wait3A_658 = arith.constant 0 : i32
    %dma_wait3A_659 = arith.constant 0 : i32
    %dma_wait3A_660 = arith.constant 0 : i32
    %dma_wait3A_661 = tpu.memref_slice %arg6[%dma_wait3A_658, %dma_wait3A_659, %dma_wait3A_660] : memref<2x512x64xf32, #tpu.memory_space<vmem>> -> memref<1x512x64xf32, #tpu.memory_space<vmem>>
    %dma_wait3A_662 = tpu.memref_squeeze %dma_wait3A_661 : memref<1x512x64xf32, #tpu.memory_space<vmem>> -> memref<512x64xf32, #tpu.memory_space<vmem>>
    %dma_wait3A_663 = arith.constant 0 : i32
    %dma_wait3A_664 = tpu.memref_slice %arg4[%add3A_644, %dma_wait3A_663] : memref<106496x64xf32, #tpu.memory_space<hbm>> -> memref<512x64xf32, #tpu.memory_space<hbm>>
    %dma_wait3A_665 = arith.constant 0 : i32
    %dma_wait3A_666 = tpu.memref_slice %arg4[%add3A_644, %dma_wait3A_665] : memref<106496x64xf32, #tpu.memory_space<hbm>> -> memref<512x64xf32, #tpu.memory_space<hbm>>
    %dma_wait3A_667 = arith.constant 0 : i32
    %dma_wait3A_668 = arith.constant 0 : i32
    %dma_wait3A_669 = tpu.memref_slice %arg6[%dma_wait3A_658, %dma_wait3A_667, %dma_wait3A_668] : memref<2x512x64xf32, #tpu.memory_space<vmem>> -> memref<1x512x64xf32, #tpu.memory_space<vmem>>
    %dma_wait3A_670 = tpu.memref_squeeze %dma_wait3A_669 : memref<1x512x64xf32, #tpu.memory_space<vmem>> -> memref<512x64xf32, #tpu.memory_space<vmem>>
    tpu.wait_dma2 semaphore(%arg9 : memref<!tpu.dma_semaphore, #tpu.memory_space<semaphore_mem>>) src(%dma_wait3A_670 : memref<512x64xf32, #tpu.memory_space<vmem>>) dst(%dma_wait3A_666 : memref<512x64xf32, #tpu.memory_space<hbm>>)
    %dma_start3A_671 = arith.constant 24 : i32
    %dma_start3A_672 = arith.constant 0 : i32
    %dma_start3A_673 = arith.constant 0 : i32
    %dma_start3A_674 = arith.constant 0 : i32
    %dma_start3A_675 = tpu.memref_slice %arg6[%dma_start3A_672, %dma_start3A_673, %dma_start3A_674] : memref<2x512x64xf32, #tpu.memory_space<vmem>> -> memref<1x128x64xf32, #tpu.memory_space<vmem>>
    %dma_start3A_676 = tpu.memref_squeeze %dma_start3A_675 : memref<1x128x64xf32, #tpu.memory_space<vmem>> -> memref<128x64xf32, #tpu.memory_space<vmem>>
    %dma_start3A_677 = arith.constant 0 : i32
    %dma_start3A_678 = tpu.memref_slice %arg5[%dma_start3A_671, %dma_start3A_677] : memref<26x128xi32, #tpu.memory_space<vmem>> -> memref<1x128xi32, #tpu.memory_space<vmem>>
    %dma_start3A_679 = tpu.memref_squeeze %dma_start3A_678 : memref<1x128xi32, #tpu.memory_space<vmem>> -> memref<128xi32, #tpu.memory_space<vmem>>
    %dma_start3A_680 = arith.constant 0 : i32
    %dma_start3A_681 = arith.constant 0 : i32
    %dma_start3A_682 = tpu.memref_slice %arg3[%dma_start3A_680, %dma_start3A_681] : memref<100000x64xf32, #tpu.memory_space<hbm>> -> memref<100000x64xf32, #tpu.memory_space<hbm>>
    tpu.enqueue_indirect_dma source(%dma_start3A_682 : memref<100000x64xf32, #tpu.memory_space<hbm>>) target(%dma_start3A_676 : memref<128x64xf32, #tpu.memory_space<vmem>>) offsets(%dma_start3A_679 : memref<128xi32, #tpu.memory_space<vmem>>) semaphore(%arg7 : memref<!tpu.dma_semaphore, #tpu.memory_space<semaphore_mem>>)
    %dma_start3A_683 = arith.constant 25 : i32
    %dma_start3A_684 = arith.constant 0 : i32
    %dma_start3A_685 = arith.constant 128 : i32
    %dma_start3A_686 = arith.constant 0 : i32
    %dma_start3A_687 = tpu.memref_slice %arg6[%dma_start3A_684, %dma_start3A_685, %dma_start3A_686] : memref<2x512x64xf32, #tpu.memory_space<vmem>> -> memref<1x128x64xf32, #tpu.memory_space<vmem>>
    %dma_start3A_688 = tpu.memref_squeeze %dma_start3A_687 : memref<1x128x64xf32, #tpu.memory_space<vmem>> -> memref<128x64xf32, #tpu.memory_space<vmem>>
    %dma_start3A_689 = arith.constant 0 : i32
    %dma_start3A_690 = tpu.memref_slice %arg5[%dma_start3A_683, %dma_start3A_689] : memref<26x128xi32, #tpu.memory_space<vmem>> -> memref<1x128xi32, #tpu.memory_space<vmem>>
    %dma_start3A_691 = tpu.memref_squeeze %dma_start3A_690 : memref<1x128xi32, #tpu.memory_space<vmem>> -> memref<128xi32, #tpu.memory_space<vmem>>
    %dma_start3A_692 = arith.constant 0 : i32
    %dma_start3A_693 = arith.constant 0 : i32
    %dma_start3A_694 = tpu.memref_slice %arg3[%dma_start3A_692, %dma_start3A_693] : memref<100000x64xf32, #tpu.memory_space<hbm>> -> memref<100000x64xf32, #tpu.memory_space<hbm>>
    tpu.enqueue_indirect_dma source(%dma_start3A_694 : memref<100000x64xf32, #tpu.memory_space<hbm>>) target(%dma_start3A_688 : memref<128x64xf32, #tpu.memory_space<vmem>>) offsets(%dma_start3A_691 : memref<128xi32, #tpu.memory_space<vmem>>) semaphore(%arg7 : memref<!tpu.dma_semaphore, #tpu.memory_space<semaphore_mem>>)
    %dma_wait3A_695 = arith.constant 20 : i32
    %dma_wait3A_696 = arith.constant 1 : i32
    %dma_wait3A_697 = arith.constant 0 : i32
    %dma_wait3A_698 = arith.constant 0 : i32
    %dma_wait3A_699 = tpu.memref_slice %arg6[%dma_wait3A_696, %dma_wait3A_697, %dma_wait3A_698] : memref<2x512x64xf32, #tpu.memory_space<vmem>> -> memref<1x128x64xf32, #tpu.memory_space<vmem>>
    %dma_wait3A_700 = tpu.memref_squeeze %dma_wait3A_699 : memref<1x128x64xf32, #tpu.memory_space<vmem>> -> memref<128x64xf32, #tpu.memory_space<vmem>>
    %dma_wait3A_701 = arith.constant 0 : i32
    %dma_wait3A_702 = tpu.memref_slice %arg5[%dma_wait3A_695, %dma_wait3A_701] : memref<26x128xi32, #tpu.memory_space<vmem>> -> memref<1x128xi32, #tpu.memory_space<vmem>>
    %dma_wait3A_703 = tpu.memref_squeeze %dma_wait3A_702 : memref<1x128xi32, #tpu.memory_space<vmem>> -> memref<128xi32, #tpu.memory_space<vmem>>
    %dma_wait3A_704 = arith.constant 0 : i32
    %dma_wait3A_705 = arith.constant 0 : i32
    %dma_wait3A_706 = tpu.memref_slice %arg3[%dma_wait3A_704, %dma_wait3A_705] : memref<100000x64xf32, #tpu.memory_space<hbm>> -> memref<100000x64xf32, #tpu.memory_space<hbm>>
    tpu.wait_indirect_dma semaphore(%arg8 : memref<!tpu.dma_semaphore, #tpu.memory_space<semaphore_mem>>) src(%dma_wait3A_706 : memref<100000x64xf32, #tpu.memory_space<hbm>>) dst(%dma_wait3A_700 : memref<128x64xf32, #tpu.memory_space<vmem>>)
    %dma_wait3A_707 = arith.constant 21 : i32
    %dma_wait3A_708 = arith.constant 1 : i32
    %dma_wait3A_709 = arith.constant 128 : i32
    %dma_wait3A_710 = arith.constant 0 : i32
    %dma_wait3A_711 = tpu.memref_slice %arg6[%dma_wait3A_708, %dma_wait3A_709, %dma_wait3A_710] : memref<2x512x64xf32, #tpu.memory_space<vmem>> -> memref<1x128x64xf32, #tpu.memory_space<vmem>>
    %dma_wait3A_712 = tpu.memref_squeeze %dma_wait3A_711 : memref<1x128x64xf32, #tpu.memory_space<vmem>> -> memref<128x64xf32, #tpu.memory_space<vmem>>
    %dma_wait3A_713 = arith.constant 0 : i32
    %dma_wait3A_714 = tpu.memref_slice %arg5[%dma_wait3A_707, %dma_wait3A_713] : memref<26x128xi32, #tpu.memory_space<vmem>> -> memref<1x128xi32, #tpu.memory_space<vmem>>
    %dma_wait3A_715 = tpu.memref_squeeze %dma_wait3A_714 : memref<1x128xi32, #tpu.memory_space<vmem>> -> memref<128xi32, #tpu.memory_space<vmem>>
    %dma_wait3A_716 = arith.constant 0 : i32
    %dma_wait3A_717 = arith.constant 0 : i32
    %dma_wait3A_718 = tpu.memref_slice %arg3[%dma_wait3A_716, %dma_wait3A_717] : memref<100000x64xf32, #tpu.memory_space<hbm>> -> memref<100000x64xf32, #tpu.memory_space<hbm>>
    tpu.wait_indirect_dma semaphore(%arg8 : memref<!tpu.dma_semaphore, #tpu.memory_space<semaphore_mem>>) src(%dma_wait3A_718 : memref<100000x64xf32, #tpu.memory_space<hbm>>) dst(%dma_wait3A_712 : memref<128x64xf32, #tpu.memory_space<vmem>>)
    %dma_wait3A_719 = arith.constant 22 : i32
    %dma_wait3A_720 = arith.constant 1 : i32
    %dma_wait3A_721 = arith.constant 256 : i32
    %dma_wait3A_722 = arith.constant 0 : i32
    %dma_wait3A_723 = tpu.memref_slice %arg6[%dma_wait3A_720, %dma_wait3A_721, %dma_wait3A_722] : memref<2x512x64xf32, #tpu.memory_space<vmem>> -> memref<1x128x64xf32, #tpu.memory_space<vmem>>
    %dma_wait3A_724 = tpu.memref_squeeze %dma_wait3A_723 : memref<1x128x64xf32, #tpu.memory_space<vmem>> -> memref<128x64xf32, #tpu.memory_space<vmem>>
    %dma_wait3A_725 = arith.constant 0 : i32
    %dma_wait3A_726 = tpu.memref_slice %arg5[%dma_wait3A_719, %dma_wait3A_725] : memref<26x128xi32, #tpu.memory_space<vmem>> -> memref<1x128xi32, #tpu.memory_space<vmem>>
    %dma_wait3A_727 = tpu.memref_squeeze %dma_wait3A_726 : memref<1x128xi32, #tpu.memory_space<vmem>> -> memref<128xi32, #tpu.memory_space<vmem>>
    %dma_wait3A_728 = arith.constant 0 : i32
    %dma_wait3A_729 = arith.constant 0 : i32
    %dma_wait3A_730 = tpu.memref_slice %arg3[%dma_wait3A_728, %dma_wait3A_729] : memref<100000x64xf32, #tpu.memory_space<hbm>> -> memref<100000x64xf32, #tpu.memory_space<hbm>>
    tpu.wait_indirect_dma semaphore(%arg8 : memref<!tpu.dma_semaphore, #tpu.memory_space<semaphore_mem>>) src(%dma_wait3A_730 : memref<100000x64xf32, #tpu.memory_space<hbm>>) dst(%dma_wait3A_724 : memref<128x64xf32, #tpu.memory_space<vmem>>)
    %dma_wait3A_731 = arith.constant 23 : i32
    %dma_wait3A_732 = arith.constant 1 : i32
    %dma_wait3A_733 = arith.constant 384 : i32
    %dma_wait3A_734 = arith.constant 0 : i32
    %dma_wait3A_735 = tpu.memref_slice %arg6[%dma_wait3A_732, %dma_wait3A_733, %dma_wait3A_734] : memref<2x512x64xf32, #tpu.memory_space<vmem>> -> memref<1x128x64xf32, #tpu.memory_space<vmem>>
    %dma_wait3A_736 = tpu.memref_squeeze %dma_wait3A_735 : memref<1x128x64xf32, #tpu.memory_space<vmem>> -> memref<128x64xf32, #tpu.memory_space<vmem>>
    %dma_wait3A_737 = arith.constant 0 : i32
    %dma_wait3A_738 = tpu.memref_slice %arg5[%dma_wait3A_731, %dma_wait3A_737] : memref<26x128xi32, #tpu.memory_space<vmem>> -> memref<1x128xi32, #tpu.memory_space<vmem>>
    %dma_wait3A_739 = tpu.memref_squeeze %dma_wait3A_738 : memref<1x128xi32, #tpu.memory_space<vmem>> -> memref<128xi32, #tpu.memory_space<vmem>>
    %dma_wait3A_740 = arith.constant 0 : i32
    %dma_wait3A_741 = arith.constant 0 : i32
    %dma_wait3A_742 = tpu.memref_slice %arg3[%dma_wait3A_740, %dma_wait3A_741] : memref<100000x64xf32, #tpu.memory_space<hbm>> -> memref<100000x64xf32, #tpu.memory_space<hbm>>
    tpu.wait_indirect_dma semaphore(%arg8 : memref<!tpu.dma_semaphore, #tpu.memory_space<semaphore_mem>>) src(%dma_wait3A_742 : memref<100000x64xf32, #tpu.memory_space<hbm>>) dst(%dma_wait3A_736 : memref<128x64xf32, #tpu.memory_space<vmem>>)
    %add3A_743 = arith.constant 2560 : i32
    %add3A_744 = arith.addi %mul3A_4, %add3A_743 : i32
    %dma_start3A_745 = arith.constant 1 : i32
    %dma_start3A_746 = arith.constant 0 : i32
    %dma_start3A_747 = arith.constant 0 : i32
    %dma_start3A_748 = tpu.memref_slice %arg6[%dma_start3A_745, %dma_start3A_746, %dma_start3A_747] : memref<2x512x64xf32, #tpu.memory_space<vmem>> -> memref<1x512x64xf32, #tpu.memory_space<vmem>>
    %dma_start3A_749 = tpu.memref_squeeze %dma_start3A_748 : memref<1x512x64xf32, #tpu.memory_space<vmem>> -> memref<512x64xf32, #tpu.memory_space<vmem>>
    %dma_start3A_750 = arith.constant 0 : i32
    %dma_start3A_751 = tpu.memref_slice %arg4[%add3A_744, %dma_start3A_750] : memref<106496x64xf32, #tpu.memory_space<hbm>> -> memref<512x64xf32, #tpu.memory_space<hbm>>
    %dma_start3A_752 = arith.constant 0 : i32
    %dma_start3A_753 = tpu.memref_slice %arg4[%add3A_744, %dma_start3A_752] : memref<106496x64xf32, #tpu.memory_space<hbm>> -> memref<512x64xf32, #tpu.memory_space<hbm>>
    %dma_start3A_754 = arith.constant 0 : i32
    %dma_start3A_755 = arith.constant 0 : i32
    %dma_start3A_756 = tpu.memref_slice %arg6[%dma_start3A_745, %dma_start3A_754, %dma_start3A_755] : memref<2x512x64xf32, #tpu.memory_space<vmem>> -> memref<1x512x64xf32, #tpu.memory_space<vmem>>
    %dma_start3A_757 = tpu.memref_squeeze %dma_start3A_756 : memref<1x512x64xf32, #tpu.memory_space<vmem>> -> memref<512x64xf32, #tpu.memory_space<vmem>>
    tpu.enqueue_dma source(%dma_start3A_757 : memref<512x64xf32, #tpu.memory_space<vmem>>) target(%dma_start3A_753 : memref<512x64xf32, #tpu.memory_space<hbm>>) target_semaphore(%arg10 : memref<!tpu.dma_semaphore, #tpu.memory_space<semaphore_mem>>)
    %dma_wait3A_758 = arith.constant 24 : i32
    %dma_wait3A_759 = arith.constant 0 : i32
    %dma_wait3A_760 = arith.constant 0 : i32
    %dma_wait3A_761 = arith.constant 0 : i32
    %dma_wait3A_762 = tpu.memref_slice %arg6[%dma_wait3A_759, %dma_wait3A_760, %dma_wait3A_761] : memref<2x512x64xf32, #tpu.memory_space<vmem>> -> memref<1x128x64xf32, #tpu.memory_space<vmem>>
    %dma_wait3A_763 = tpu.memref_squeeze %dma_wait3A_762 : memref<1x128x64xf32, #tpu.memory_space<vmem>> -> memref<128x64xf32, #tpu.memory_space<vmem>>
    %dma_wait3A_764 = arith.constant 0 : i32
    %dma_wait3A_765 = tpu.memref_slice %arg5[%dma_wait3A_758, %dma_wait3A_764] : memref<26x128xi32, #tpu.memory_space<vmem>> -> memref<1x128xi32, #tpu.memory_space<vmem>>
    %dma_wait3A_766 = tpu.memref_squeeze %dma_wait3A_765 : memref<1x128xi32, #tpu.memory_space<vmem>> -> memref<128xi32, #tpu.memory_space<vmem>>
    %dma_wait3A_767 = arith.constant 0 : i32
    %dma_wait3A_768 = arith.constant 0 : i32
    %dma_wait3A_769 = tpu.memref_slice %arg3[%dma_wait3A_767, %dma_wait3A_768] : memref<100000x64xf32, #tpu.memory_space<hbm>> -> memref<100000x64xf32, #tpu.memory_space<hbm>>
    tpu.wait_indirect_dma semaphore(%arg7 : memref<!tpu.dma_semaphore, #tpu.memory_space<semaphore_mem>>) src(%dma_wait3A_769 : memref<100000x64xf32, #tpu.memory_space<hbm>>) dst(%dma_wait3A_763 : memref<128x64xf32, #tpu.memory_space<vmem>>)
    %dma_wait3A_770 = arith.constant 25 : i32
    %dma_wait3A_771 = arith.constant 0 : i32
    %dma_wait3A_772 = arith.constant 128 : i32
    %dma_wait3A_773 = arith.constant 0 : i32
    %dma_wait3A_774 = tpu.memref_slice %arg6[%dma_wait3A_771, %dma_wait3A_772, %dma_wait3A_773] : memref<2x512x64xf32, #tpu.memory_space<vmem>> -> memref<1x128x64xf32, #tpu.memory_space<vmem>>
    %dma_wait3A_775 = tpu.memref_squeeze %dma_wait3A_774 : memref<1x128x64xf32, #tpu.memory_space<vmem>> -> memref<128x64xf32, #tpu.memory_space<vmem>>
    %dma_wait3A_776 = arith.constant 0 : i32
    %dma_wait3A_777 = tpu.memref_slice %arg5[%dma_wait3A_770, %dma_wait3A_776] : memref<26x128xi32, #tpu.memory_space<vmem>> -> memref<1x128xi32, #tpu.memory_space<vmem>>
    %dma_wait3A_778 = tpu.memref_squeeze %dma_wait3A_777 : memref<1x128xi32, #tpu.memory_space<vmem>> -> memref<128xi32, #tpu.memory_space<vmem>>
    %dma_wait3A_779 = arith.constant 0 : i32
    %dma_wait3A_780 = arith.constant 0 : i32
    %dma_wait3A_781 = tpu.memref_slice %arg3[%dma_wait3A_779, %dma_wait3A_780] : memref<100000x64xf32, #tpu.memory_space<hbm>> -> memref<100000x64xf32, #tpu.memory_space<hbm>>
    tpu.wait_indirect_dma semaphore(%arg7 : memref<!tpu.dma_semaphore, #tpu.memory_space<semaphore_mem>>) src(%dma_wait3A_781 : memref<100000x64xf32, #tpu.memory_space<hbm>>) dst(%dma_wait3A_775 : memref<128x64xf32, #tpu.memory_space<vmem>>)
    %add3A_782 = arith.constant 3072 : i32
    %add3A_783 = arith.addi %mul3A_4, %add3A_782 : i32
    %dma_start3A_784 = arith.constant 0 : i32
    %dma_start3A_785 = arith.constant 0 : i32
    %dma_start3A_786 = arith.constant 0 : i32
    %dma_start3A_787 = tpu.memref_slice %arg6[%dma_start3A_784, %dma_start3A_785, %dma_start3A_786] : memref<2x512x64xf32, #tpu.memory_space<vmem>> -> memref<1x256x64xf32, #tpu.memory_space<vmem>>
    %dma_start3A_788 = tpu.memref_squeeze %dma_start3A_787 : memref<1x256x64xf32, #tpu.memory_space<vmem>> -> memref<256x64xf32, #tpu.memory_space<vmem>>
    %dma_start3A_789 = arith.constant 0 : i32
    %dma_start3A_790 = tpu.memref_slice %arg4[%add3A_783, %dma_start3A_789] : memref<106496x64xf32, #tpu.memory_space<hbm>> -> memref<256x64xf32, #tpu.memory_space<hbm>>
    %dma_start3A_791 = arith.constant 0 : i32
    %dma_start3A_792 = tpu.memref_slice %arg4[%add3A_783, %dma_start3A_791] : memref<106496x64xf32, #tpu.memory_space<hbm>> -> memref<256x64xf32, #tpu.memory_space<hbm>>
    %dma_start3A_793 = arith.constant 0 : i32
    %dma_start3A_794 = arith.constant 0 : i32
    %dma_start3A_795 = tpu.memref_slice %arg6[%dma_start3A_784, %dma_start3A_793, %dma_start3A_794] : memref<2x512x64xf32, #tpu.memory_space<vmem>> -> memref<1x256x64xf32, #tpu.memory_space<vmem>>
    %dma_start3A_796 = tpu.memref_squeeze %dma_start3A_795 : memref<1x256x64xf32, #tpu.memory_space<vmem>> -> memref<256x64xf32, #tpu.memory_space<vmem>>
    tpu.enqueue_dma source(%dma_start3A_796 : memref<256x64xf32, #tpu.memory_space<vmem>>) target(%dma_start3A_792 : memref<256x64xf32, #tpu.memory_space<hbm>>) target_semaphore(%arg9 : memref<!tpu.dma_semaphore, #tpu.memory_space<semaphore_mem>>)
    %dma_wait3A_797 = arith.constant 0 : i32
    %dma_wait3A_798 = arith.constant 0 : i32
    %dma_wait3A_799 = arith.constant 0 : i32
    %dma_wait3A_800 = tpu.memref_slice %arg6[%dma_wait3A_797, %dma_wait3A_798, %dma_wait3A_799] : memref<2x512x64xf32, #tpu.memory_space<vmem>> -> memref<1x256x64xf32, #tpu.memory_space<vmem>>
    %dma_wait3A_801 = tpu.memref_squeeze %dma_wait3A_800 : memref<1x256x64xf32, #tpu.memory_space<vmem>> -> memref<256x64xf32, #tpu.memory_space<vmem>>
    %dma_wait3A_802 = arith.constant 0 : i32
    %dma_wait3A_803 = tpu.memref_slice %arg4[%add3A_783, %dma_wait3A_802] : memref<106496x64xf32, #tpu.memory_space<hbm>> -> memref<256x64xf32, #tpu.memory_space<hbm>>
    %dma_wait3A_804 = arith.constant 0 : i32
    %dma_wait3A_805 = tpu.memref_slice %arg4[%add3A_783, %dma_wait3A_804] : memref<106496x64xf32, #tpu.memory_space<hbm>> -> memref<256x64xf32, #tpu.memory_space<hbm>>
    %dma_wait3A_806 = arith.constant 0 : i32
    %dma_wait3A_807 = arith.constant 0 : i32
    %dma_wait3A_808 = tpu.memref_slice %arg6[%dma_wait3A_797, %dma_wait3A_806, %dma_wait3A_807] : memref<2x512x64xf32, #tpu.memory_space<vmem>> -> memref<1x256x64xf32, #tpu.memory_space<vmem>>
    %dma_wait3A_809 = tpu.memref_squeeze %dma_wait3A_808 : memref<1x256x64xf32, #tpu.memory_space<vmem>> -> memref<256x64xf32, #tpu.memory_space<vmem>>
    tpu.wait_dma2 semaphore(%arg9 : memref<!tpu.dma_semaphore, #tpu.memory_space<semaphore_mem>>) src(%dma_wait3A_809 : memref<256x64xf32, #tpu.memory_space<vmem>>) dst(%dma_wait3A_805 : memref<256x64xf32, #tpu.memory_space<hbm>>)
    %dma_wait3A_810 = arith.constant 1 : i32
    %dma_wait3A_811 = arith.constant 0 : i32
    %dma_wait3A_812 = arith.constant 0 : i32
    %dma_wait3A_813 = tpu.memref_slice %arg6[%dma_wait3A_810, %dma_wait3A_811, %dma_wait3A_812] : memref<2x512x64xf32, #tpu.memory_space<vmem>> -> memref<1x512x64xf32, #tpu.memory_space<vmem>>
    %dma_wait3A_814 = tpu.memref_squeeze %dma_wait3A_813 : memref<1x512x64xf32, #tpu.memory_space<vmem>> -> memref<512x64xf32, #tpu.memory_space<vmem>>
    %dma_wait3A_815 = arith.constant 0 : i32
    %dma_wait3A_816 = tpu.memref_slice %arg4[%add3A_744, %dma_wait3A_815] : memref<106496x64xf32, #tpu.memory_space<hbm>> -> memref<512x64xf32, #tpu.memory_space<hbm>>
    %dma_wait3A_817 = arith.constant 0 : i32
    %dma_wait3A_818 = tpu.memref_slice %arg4[%add3A_744, %dma_wait3A_817] : memref<106496x64xf32, #tpu.memory_space<hbm>> -> memref<512x64xf32, #tpu.memory_space<hbm>>
    %dma_wait3A_819 = arith.constant 0 : i32
    %dma_wait3A_820 = arith.constant 0 : i32
    %dma_wait3A_821 = tpu.memref_slice %arg6[%dma_wait3A_810, %dma_wait3A_819, %dma_wait3A_820] : memref<2x512x64xf32, #tpu.memory_space<vmem>> -> memref<1x512x64xf32, #tpu.memory_space<vmem>>
    %dma_wait3A_822 = tpu.memref_squeeze %dma_wait3A_821 : memref<1x512x64xf32, #tpu.memory_space<vmem>> -> memref<512x64xf32, #tpu.memory_space<vmem>>
    tpu.wait_dma2 semaphore(%arg10 : memref<!tpu.dma_semaphore, #tpu.memory_space<semaphore_mem>>) src(%dma_wait3A_822 : memref<512x64xf32, #tpu.memory_space<vmem>>) dst(%dma_wait3A_818 : memref<512x64xf32, #tpu.memory_space<hbm>>)
    return
  }
}

</mosaic_0001>

<sc_bundles>
// kernel: kernel.3.cloned.1.call-start
scs
__scs_entry_jumppad:
0x0: {  	(pc) =	sbr.rel $0x88, $3  }
0x1: {  	(tag) =	ssettag $0x0;
	lr =	simm.s32 $0x1  }
0x2: {  	[smem:$0x3F9F] =	sst lr;
	_ =	strace $0xD0000000  }
0x3: {  	_ = 	snop  }
0x4: {  	_ = 	snop  }
0x5: {  	_ = 	snop  }
0x6: {  	_ = 	snop  }
0x7: {  	_ = 	snop  }
__scs_overlays_trampoline_lowered:
0x8: {  	[smem:$0x3FAE] =	sst s0  }
0x9: {  	[smem:$0x3FAF] =	sst s1  }
0xa: {  	[smem:$0x3FB0] =	sst s2  }
0xb: {  	[smem:$0x3FB1] =	sst s3  }
0xc: {  	[smem:$0x3FB2] =	sst s4  }
0xd: {  	[smem:$0x3FB3] =	sst s5  }
0xe: {  	[smem:$0x3FB4] =	sst s6  }
0xf: {  	[smem:$0x3FB5] =	sst s7  }
0x10: {  	[smem:$0x3FB6] =	sst s8  }
0x11: {  	[smem:$0x3FB7] =	sst s9;
	s0 =	simm.s32 @!p0 $0x0  }
0x12: {  	s1 =	sld [smem:$0x3F9D];
	s0 =	simm.s32 @p0 $0x1  }
0x13: {  	[smem:$0x3FB8] =	sst s0;
	s0 =	simm.s32 @!p1 $0x0  }
0x14: {  	s2 =	sld [smem:$0x3F9C];
	s0 =	simm.s32 @p1 $0x1  }
0x15: {  	[smem:$0x3FB9] =	sst s0;
	s0 =	simm.s32 @!p2 $0x0  }
0x16: {  	s3 =	sld [smem:$0x3FDB];
	s0 =	simm.s32 @p2 $0x1  }
0x17: {  	s4 =	simm.s32 $0x1BF5;
	[smem:$0x3FBB] =	sst s0  }
0x18: {  	s0 =	sld [smem:$0x3F9E];
	_ =	swait.ge [sflag:s4], $0x0  }
0x19: {  	s7 =	sld [smem:$0x3F9F]  }
0x1a: {  	s8 =	sadd.s32 $0xFFFFE003, lr  }
0x1b: {  	s9 =	sadd.s32 $0xFFFFFEF7, lr;
	s5 =	simm.s32 $0xFFFFFFFF;
	p2 =	slt.u32 s8, $0xFFFFF086  }
0x1c: {  	p1 =	slt.u32 s9, $0xF7A;
	s5 =	simm.s32 @!p2 $0x0  }
0x1d: {  	s5 =	simm.s32 @p1 $0x1;
	p0 =	seq.s32 s7, s2  }
0x1e: {  	s7 =	smul.u32 @!p0 $0xF7A, s2;
	p2 =	seq.s32 @!p0 s5, $0x0  }
0x1f: {  	s9 =	smul.u32 $0xF7A, s1;
	s8 =	simm.s32 @!p0 $0x1BF5;
	p2 =	por !p2, p0  }
0x20: {  	[sflag:s8] =	ssyncset.s32 @!p0 $0xFFFFF086;
	s6 =	sadd.s32 @!p0 s3, s7;
	s7 =	simm.s32 @!p0 $0x108  }
0x21: {  	s3 =	sadd.s32 s3, s9;
	s6 =	sadd.s32 @!p0 $0x88, s6;
	s7 =	simm.s32 @p2 $0x1082  }
0x22: {  	[simem:s7], [sflag:s8] =	dma.local @!p0 [hbm:s6], $0xF7A  }
0x23: {  	s9 =	sor.u32 $0xD0000000, s2;
	s6 =	simm.s32 $0x108;
	_ =	swait.ge @!p0 [sflag:s8], $0x0  }
0x24: {  	s3 =	sadd.s32 $0x88, s3;
	s6 =	simm.s32 @!p1 $0x1082;
	[sflag:s4] =	ssyncset.s32 $0xFFFFF086  }
0x25: {  	[simem:s6], [sflag:s4] =	dma.local [hbm:s3], $0xF7A  }
0x26: {  	[smem:$0x3F9F] =	sst s1;
	(tag) =	ssettag s2;
	_ =	strace s9  }
0x27: {  	s1 =	sld [smem:$0x3FAF]  }
0x28: {  	s2 =	sld [smem:$0x3FB0]  }
0x29: {  	s4 =	sld [smem:$0x3FB2]  }
0x2a: {  	p0 =	seq.s32 s5, $0x0;
	s5 =	sld [smem:$0x3FB3]  }
0x2b: {  	s6 =	sld [smem:$0x3FB4]  }
0x2c: {  	s7 =	sld [smem:$0x3FB5]  }
0x2d: {  	s3 =	simm.s32 $0x108;
	s8 =	sld [smem:$0x3FB6]  }
0x2e: {  	s3 =	simm.s32 @!p0 $0x1082;
	s9 =	sld [smem:$0x3FB7]  }
0x2f: {  	lr =	sadd.s32 s0, s3;
	s0 =	sld [smem:$0x3FAE]  }
0x30: {  	s3 =	sld [smem:$0x3FB1]  }
0x31: {  	[smem:$0x3FBA] =	sst s10  }
0x32: {  	s10 =	sld [smem:$0x3FB8];
	_ =	sdelay $0x3  }
0x33: {  	p0 =	seq.s32 s10, $0x1;
	s10 =	sld [smem:$0x3FBA];
	_ =	sdelay $0x3  }
0x34: {  	[smem:$0x3FBA] =	sst s10  }
0x35: {  	s10 =	sld [smem:$0x3FB9];
	_ =	sdelay $0x3  }
0x36: {  	p1 =	seq.s32 s10, $0x1;
	s10 =	sld [smem:$0x3FBA];
	_ =	sdelay $0x3  }
0x37: {  	[smem:$0x3FBA] =	sst s10  }
0x38: {  	s10 =	sld [smem:$0x3FBB]  }
0x39: {  	_ = 	snop;
	(pc) =	sbr.ind lr, $3  }
0x3a: {  	_ = 	snop  }
0x3b: {  	_ = 	snop  }
0x3c: {  	p2 =	seq.s32 s10, $0x1;
	s10 =	sld [smem:$0x3FBA]  }
0x3d: {  	_ =	shalt  }
0x3e: {  	_ =	shalt  }
0x3f: {  	_ =	shalt  }
0x40: {  	_ =	shalt  }
0x41: {  	_ =	shalt  }
0x42: {  	_ =	shalt  }
0x43: {  	_ =	shalt  }
0x44: {  	_ =	shalt  }
0x45: {  	_ =	shalt  }
0x46: {  	_ =	shalt  }
0x47: {  	_ =	shalt  }
0x48: {  	_ =	shalt  }
0x49: {  	_ =	shalt  }
0x4a: {  	_ =	shalt  }
0x4b: {  	_ =	shalt  }
0x4c: {  	_ =	shalt  }
0x4d: {  	_ =	shalt  }
0x4e: {  	_ =	shalt  }
0x4f: {  	_ =	shalt  }
0x50: {  	_ =	shalt  }
0x51: {  	_ =	shalt  }
0x52: {  	_ =	shalt  }
0x53: {  	_ =	shalt  }
0x54: {  	_ =	shalt  }
0x55: {  	_ =	shalt  }
0x56: {  	_ =	shalt  }
0x57: {  	_ =	shalt  }
0x58: {  	_ =	shalt  }
0x59: {  	_ =	shalt  }
0x5a: {  	_ =	shalt  }
0x5b: {  	_ =	shalt  }
0x5c: {  	_ =	shalt  }
0x5d: {  	_ =	shalt  }
0x5e: {  	_ =	shalt  }
0x5f: {  	_ =	shalt  }
0x60: {  	_ =	shalt  }
0x61: {  	_ =	shalt  }
0x62: {  	_ =	shalt  }
0x63: {  	_ =	shalt  }
0x64: {  	_ =	shalt  }
0x65: {  	_ =	shalt  }
0x66: {  	_ =	shalt  }
0x67: {  	_ =	shalt  }
0x68: {  	_ =	shalt  }
0x69: {  	_ =	shalt  }
0x6a: {  	_ =	shalt  }
0x6b: {  	_ =	shalt  }
0x6c: {  	_ =	shalt  }
0x6d: {  	_ =	shalt  }
0x6e: {  	_ =	shalt  }
0x6f: {  	_ =	shalt  }
0x70: {  	_ =	shalt  }
0x71: {  	_ =	shalt  }
0x72: {  	_ =	shalt  }
0x73: {  	_ =	shalt  }
0x74: {  	_ =	shalt  }
0x75: {  	_ =	shalt  }
0x76: {  	_ =	shalt  }
0x77: {  	_ =	shalt  }
0x78: {  	_ =	shalt  }
0x79: {  	_ =	shalt  }
0x7a: {  	_ =	shalt  }
0x7b: {  	_ =	shalt  }
0x7c: {  	_ =	shalt  }
0x7d: {  	_ =	shalt  }
0x7e: {  	_ =	shalt  }
0x7f: {  	_ =	shalt  }
0x80: {  	_ =	shalt  }
0x81: {  	_ =	shalt  }
0x82: {  	_ =	shalt  }
0x83: {  	_ =	shalt  }
0x84: {  	_ =	shalt  }
0x85: {  	_ =	shalt  }
0x86: {  	_ =	shalt  }
0x87: {  	_ =	shalt  }
.Lfunc_end0:
.L_simem_size_0:
called_computation_lowered:
.L_overlay_start_0:
0x88: {  	s2 =	sld [smem:$0x3FD9]  }
0x89: {  	s3 =	sld [smem:$0x3FFE];
	_ =	sdelay $0x1  }
0x8a: {  	s1 =	srdreg.scid  }
0x8b: {  	s0 =	sand.u32 $0x1, s1  }
0x8c: {  	s17 =	sshll.u32 s0, $0xA;
	s2 =	sadd.s32 s3, s2  }
0x8d: {  	s2 =	sadd.s32 s2, s17  }
0x8e: {  	[smem:$0x3FC6] =	sst s2  }
0x8f: {  	_ = 	snop  }
0x90: {  	s2 =	sld [smem:$0x3FD0];
	(tm) =	ssettm $0x1  }
0x91: {  	s18 =	sld [smem:$0x3FFB];
	_ =	sdelay $0x3  }
0x92: {  	_ =	strace s18  }
0x93: {  	s3 =	sld [smem:$0x3FFC];
	_ =	sdelay $0x3  }
0x94: {  	_ =	strace s3  }
0x95: {  	s3 =	sld [smem:$0x3FFD];
	_ =	sdelay $0x3  }
0x96: {  	_ =	strace s3  }
0x97: {  	_ =	strace $0x8FFFFFFF  }
0x98: {  	s19 =	sld [smem:$0x3FDB];
	_ =	sdelay $0x1  }
0x99: {  	s4 =	simm.s32 $_scs_section_size  }
0x9a: {  	s5 =	simm.s32 $_size__tile_overlayer_lowered;
	s6 =	simm.s32 $_tile_overlayer_lowered  }
0x9b: {  	s22 =	simm.s32 $0x1BFF;
	s21 =	sshll.u32 s6, $0x1;
	s3 =	sadd.s32 s4, s19  }
0x9c: {  	s7 =	simm.s32 $0x0;
	s20 =	sshll.u32 s5, $0x1;
	s5 =	sadd.s32 s21, s3  }
0x9d: {  	[timem:s7], [sflag:s22] =	dma.local [hbm:s5], s20  }
0x9e: {  	_ =	swait.ge [sflag:s22], s20  }
0x9f: {  	s4 =	ssub.s32 $0x0, s20;
	[sflag:s22] =	ssyncset.done $0x0  }
0xa0: {  	[sflag:s22] =	ssyncadd.s32 s4;
	_ =	sdelay $0x1  }
0xa1: {  	s23 =	simm.s32 $0x1B8B  }
0xa2: {  	_ =	swait.ge [sflag:s23], $0x1  }
0xa3: {  	[sflag:s23] =	ssyncset.done $0x0  }
0xa4: {  	s25 =	simm.s32 $0x1B8E;
	s24 =	sld [smem:$0x3FFE];
	[sflag:s23] =	ssyncadd.s32 $0xFFFFFFFF  }
0xa5: {  	s26 =	simm.s32 $execute0_lowered;
	[smem:$0x3FD2] =	sst s25  }
0xa6: {  	s5 =	sshll.u32 s26, $0x1;
	_ =	strace $0x80000046;
	[dreg:$0x1] =	wrdreg $0xFFFFFFFF  }
0xa7: {  	s28 =	simm.s32 $_size_execute0_lowered;
	s3 =	sadd.s32 s3, s5;
	[dreg:$0x0] =	wrdreg $0x0  }
0xa8: {  	s5 =	sshll.u32 s28, $0x1;
	[dreg:$0x2] =	wrdreg s3  }
0xa9: {  	[dreg:$0x3] =	wrdreg s5  }
0xaa: {  	[dreg:$0x4] =	wrdreg $0xC0  }
0xab: {  	_ =	task [dreg:s7], $0x5FFFF  }
0xac: {  	[dreg:$0x1] =	wrdreg $0xFFFFFFFF  }
0xad: {  	[dreg:$0x0] =	wrdreg $0x60  }
0xae: {  	[dreg:$0x2] =	wrdreg s24  }
0xaf: {  	[dreg:$0x3] =	wrdreg s2  }
0xb0: {  	[dreg:$0x4] =	wrdreg $0x9  }
0xb1: {  	_ =	task.clear_ibuf [dreg:s7], $0x5FFFF;
	_ =	strace $0x90000046  }
0xb2: {  	s29 =	simm.s32 $0x9;
	_ =	strace $0x80000048  }
0xb3: {  	_ =	swait.ge [sflag:s29], $0x1  }
0xb4: {  	[sflag:s29] =	ssyncadd.s32 $0xFFFFFFFF  }
0xb5: {  	_ =	strace $0x90000048  }
0xb6: {  	_ =	sfence  }
0xb7: {  	s30 =	sld [smem:$0x0];
	_ =	sdelay $0x2  }
0xb8: {  	s31 =	sshll.u32 s1, $0xD;
	s1 =	sshrl.u32 s1, $0x2  }
0xb9: {  	s3 =	sand.u32 $0x4000, s31;
	s1 =	sadd.s32 s1, s30  }
0xba: {  	s0 =	sor.u32 s3, s0;
	s1 =	sshll.u32 s1, $0x11  }
0xbb: {  	s0 =	sor.u32 s1, s0  }
0xbc: {  	s0 =	sadd.s32 $0x8F2B, s0  }
0xbd: {  	[sflag:s0] =	ssyncadd.remote.s32 $0x1  }
0xbe: {  	_ =	sfence.sel $0xFFFF  }
0xbf: {  	[dreg:$0x0] =	wrdreg $0xFFFFFFFF;
	(pc) =	sbr.abs _section_cstart, $3  }
0xc0: {  	[dreg:$0x1] =	wrdreg $0xFFFFFFFF  }
0xc1: {  	_ =	task.clear_ibuf [dreg:s7], $0x2FFFF;
	_ =	strace $0x9FFFFFFF  }
0xc2: {  	(tm) =	ssettm $0x7FFFFFFF  }
0xc3: {  	_ =	shalt  }
tec
execute0_lowered:
.L_overlay_start_1:
0x0: {  	(tag) =	ssettag $0x1  }
0x1: {  	s0 =	srdreg.scid  }
0x2: {  	s15 =	stileid.u32;
	s3 =	rddreg [dreg:$0x0]  }
0x3: {  	s4 =	rddreg [dreg:$0x1];
	s2 =	simm.s32 $0x0;
	s31 =	simm.s32 $0x5  }
0x4: {  	s16 =	simm.s32 $0x100;
	s17 =	simm.s32 $0x180;
	[smem:$0x7FF] =	sst s2  }
0x5: {  	s18 =	simm.s32 $0x200;
	_ =	strace $0x80000047;
	[dreg:$0xb] =	wrdreg s16  }
0x6: {  	s19 =	simm.s32 $0x280;
	s20 =	simm.s32 $0x300;
	[dreg:$0xc] =	wrdreg s17  }
0x7: {  	s21 =	simm.s32 $0x380;
	s22 =	simm.s32 $0x400;
	[dreg:$0xd] =	wrdreg s18  }
0x8: {  	s23 =	simm.s32 $0x480;
	s24 =	simm.s32 $0x500;
	[dreg:$0xe] =	wrdreg s19  }
0x9: {  	s25 =	simm.s32 $0x580;
	s7 =	simm.s32 $0x3;
	[dreg:$0xf] =	wrdreg s20  }
0xa: {  	s26 =	simm.s32 $0x600;
	s29 =	simm.s32 $0x680;
	[dreg:$0x10] =	wrdreg s21  }
0xb: {  	s30 =	simm.s32 $0x700;
	s28 =	simm.s32 $0x980;
	[dreg:$0x11] =	wrdreg s22  }
0xc: {  	s0 =	sand.u32 $0x1, s0;
	s1 =	sshll.u32 s15, $0x1;
	[dreg:$0x12] =	wrdreg s23  }
0xd: {  	p0 =	por $0x0, $0x0;
	s1 =	sor.u32 s0, s1;
	[dreg:$0x13] =	wrdreg s24  }
0xe: {  	s0 =	ssub.s32 $0x2, s0;
	s17 =	simm.s32 $0x4D00;
	[dreg:$0x14] =	wrdreg s25  }
0xf: {  	s18 =	simm.s32 $0x6D00;
	[dreg:$0x15] =	wrdreg s26;
	s24 =	simm.s32 $0x780  }
0x10: {  	s25 =	simm.s32 $0x880;
	s26 =	simm.s32 $0x900;
	s20 =	simm.s32 $0xA00  }
0x11: {  	s21 =	simm.s32 $0xA80;
	s22 =	simm.s32 $0xB00;
	s5 =	smul.u32 $0x1A0, s1  }
0x12: {  	s23 =	simm.s32 $0xB80;
	s16 =	simm.s32 $0xC00;
	s6 =	smul.u32 $0x34000, s1  }
0x13: {  	s19 =	simm.s32 $0xC80;
	s1 =	smul.u32 $0x6800, s1;
	s13 =	sshrl.u32 s0, $0x1  }
0x14: {  	s0 =	ssub.s32 s0, s13;
	s13 =	simm.s32 $0xCD00;
	s5 =	sadd.s32 s5, s3  }
0x15: {  	s6 =	sshrl.u32 s6, $0x3;
	s1 =	sadd.s32 s4, s1;
	s0 =	smax.u32 s0, $0x1  }
0x16: {  	s5 =	sadd.s32 $0x400, s5;
	s4 =	sadd.s32 s4, s6;
	[dreg:$0x4] =	wrdreg s1  }
0x17: {  	s6 =	simm.s32 $0x8D00;
	[dreg:$0x3] =	wrdreg s5;
	s8 =	sadd.s32 $0x1000, s4  }
0x18: {  	p1 =	sne.s32 s0, $0x1;
	s9 =	sadd.s32 $0x2000, s4;
	[dreg:$0x5] =	wrdreg s8  }
0x19: {  	s1 =	sadd.s32 $0xFFFFFFFF, s0;
	s10 =	sadd.s32 $0x3000, s4;
	[dreg:$0x6] =	wrdreg s9  }
0x1a: {  	s11 =	sadd.s32 $0x4000, s4;
	s12 =	sadd.s32 $0x5000, s4;
	[dreg:$0x7] =	wrdreg s10  }
.Ltmp0:
0x1b: {  	s14 =	sadd.s32 $0x6000, s4;
	[dreg:$0x8] =	wrdreg s11;
	(pc) =	sbr.rel @!p1 .LBB2_1-.Ltmp0, $4  }
0x1c: {  	s4 =	sadd.s32 $0x18A200, s3;
	s5 =	simm.s32 $0x80;
	[dreg:$0x9] =	wrdreg s12  }
0x1d: {  	s3 =	simm.s32 $0xD00;
	[dreg:$0xa] =	wrdreg s14;
	s9 =	simm.s32 $0x2D00  }
0x1e: {  	s12 =	simm.s32 $0xAD00;
	s14 =	simm.s32 $0xED00;
	s10 =	simm.s32 $0x1  }
0x1f: {  	s11 =	simm.s32 $0x2;
	s8 =	simm.s32 $0x4;
	s0 =	rddreg [dreg:$0x3]  }
0x20: {  	[tilespmem:s2], [sflag:$0x5] =	stream.linear.gather [hbm4b:s0+s2], $0xD00, $0x38;
	[tilespmem:$0x10D00] =	vst v63  }
0x21: {  	_ =	swait.ge [sflag:s31], $0xD00  }
0x22: {  	[sflag:s31] =	ssyncset.done $0x0  }
0x23: {  	[sflag:s31] =	ssyncadd.s32 $0xFFFFF300  }
0x24: {  	[tilespmem:s3], [sflag:$0x1] =	stream.indirect.gather [hbm4b:s4+s5], $0x40, s2, s5, $0xb8;
	[tilespmem:$0x10D00] =	vst v63  }
0x25: {  	_ = 	snop  }
0x26: {  	[tilespmem:s9], [sflag:$0x1] =	stream.indirect.gather [hbm4b:s4+s5], $0x40, s5, s5, $0xb8;
	[tilespmem:$0x10D00] =	vst v63  }
0x27: {  	s0 =	rddreg [dreg:$0xb]  }
0x28: {  	[tilespmem:s17], [sflag:$0x1] =	stream.indirect.gather [hbm4b:s4+s5], $0x40, s0, s5, $0xb8;
	[tilespmem:$0x10D00] =	vst v63  }
0x29: {  	s15 =	smov.u32 s1;
	s1 =	rddreg [dreg:$0xc]  }
0x2a: {  	[tilespmem:s18], [sflag:$0x1] =	stream.indirect.gather [hbm4b:s4+s5], $0x40, s1, s5, $0xb8;
	[tilespmem:$0x10D00] =	vst v63  }
0x2b: {  	s0 =	rddreg [dreg:$0xd]  }
0x2c: {  	[tilespmem:s6], [sflag:$0x2] =	stream.indirect.gather [hbm4b:s4+s5], $0x40, s0, s5, $0xb8;
	[tilespmem:$0x10D00] =	vst v63  }
0x2d: {  	s1 =	rddreg [dreg:$0xe]  }
0x2e: {  	[tilespmem:s12], [sflag:$0x2] =	stream.indirect.gather [hbm4b:s4+s5], $0x40, s1, s5, $0xb8;
	[tilespmem:$0x10D00] =	vst v63  }
0x2f: {  	s0 =	rddreg [dreg:$0xf]  }
0x30: {  	[tilespmem:s13], [sflag:$0x2] =	stream.indirect.gather [hbm4b:s4+s5], $0x40, s0, s5, $0xb8;
	[tilespmem:$0x10D00] =	vst v63  }
0x31: {  	s1 =	rddreg [dreg:$0x10]  }
0x32: {  	[tilespmem:s14], [sflag:$0x2] =	stream.indirect.gather [hbm4b:s4+s5], $0x40, s1, s5, $0xb8;
	[tilespmem:$0x10D00] =	vst v63  }
0x33: {  	_ =	swait.ge [sflag:s10], $0x2000  }
0x34: {  	[sflag:s10] =	ssyncset.done $0x0  }
0x35: {  	[sflag:s10] =	ssyncadd.s32 $0xFFFFE000  }
0x36: {  	_ =	swait.ge [sflag:s10], $0x2000  }
0x37: {  	[sflag:s10] =	ssyncset.done $0x0  }
0x38: {  	[sflag:s10] =	ssyncadd.s32 $0xFFFFE000  }
0x39: {  	_ =	swait.ge [sflag:s10], $0x2000  }
0x3a: {  	[sflag:s10] =	ssyncset.done $0x0  }
0x3b: {  	[sflag:s10] =	ssyncadd.s32 $0xFFFFE000  }
0x3c: {  	_ =	swait.ge [sflag:s10], $0x2000  }
0x3d: {  	[sflag:s10] =	ssyncset.done $0x0  }
0x3e: {  	s1 =	rddreg [dreg:$0x4];
	[sflag:s10] =	ssyncadd.s32 $0xFFFFE000  }
0x3f: {  	[hbm4b:s1+s2] =	stream.linear.scatter [tilespmem:s3], [sflag:$0x3], $0x8000, $0x38;
	[tilespmem:$0x10D00] =	vst v63  }
0x40: {  	_ =	swait.ge [sflag:s7], $0x8000  }
0x41: {  	[sflag:s7] =	ssyncset.done $0x0  }
0x42: {  	s0 =	rddreg [dreg:$0x11];
	[sflag:s7] =	ssyncadd.s32 $0xFFFF8000  }
0x43: {  	[tilespmem:s3], [sflag:$0x1] =	stream.indirect.gather [hbm4b:s4+s5], $0x40, s0, s5, $0xb8;
	[tilespmem:$0x10D00] =	vst v63  }
0x44: {  	s1 =	rddreg [dreg:$0x12]  }
0x45: {  	[tilespmem:s9], [sflag:$0x1] =	stream.indirect.gather [hbm4b:s4+s5], $0x40, s1, s5, $0xb8;
	[tilespmem:$0x10D00] =	vst v63  }
0x46: {  	s0 =	rddreg [dreg:$0x13]  }
0x47: {  	[tilespmem:s17], [sflag:$0x1] =	stream.indirect.gather [hbm4b:s4+s5], $0x40, s0, s5, $0xb8;
	[tilespmem:$0x10D00] =	vst v63  }
0x48: {  	s1 =	rddreg [dreg:$0x14]  }
0x49: {  	[tilespmem:s18], [sflag:$0x1] =	stream.indirect.gather [hbm4b:s4+s5], $0x40, s1, s5, $0xb8;
	[tilespmem:$0x10D00] =	vst v63  }
0x4a: {  	_ =	swait.ge [sflag:s11], $0x2000  }
0x4b: {  	[sflag:s11] =	ssyncset.done $0x0  }
0x4c: {  	[sflag:s11] =	ssyncadd.s32 $0xFFFFE000  }
0x4d: {  	_ =	swait.ge [sflag:s11], $0x2000  }
0x4e: {  	[sflag:s11] =	ssyncset.done $0x0  }
0x4f: {  	[sflag:s11] =	ssyncadd.s32 $0xFFFFE000  }
0x50: {  	_ =	swait.ge [sflag:s11], $0x2000  }
0x51: {  	[sflag:s11] =	ssyncset.done $0x0  }
0x52: {  	[sflag:s11] =	ssyncadd.s32 $0xFFFFE000  }
0x53: {  	_ =	swait.ge [sflag:s11], $0x2000  }
0x54: {  	[sflag:s11] =	ssyncset.done $0x0  }
0x55: {  	s1 =	rddreg [dreg:$0x5];
	[sflag:s11] =	ssyncadd.s32 $0xFFFFE000  }
0x56: {  	[hbm4b:s1+s2] =	stream.linear.scatter [tilespmem:s6], [sflag:$0x4], $0x8000, $0x38;
	[tilespmem:$0x10D00] =	vst v63  }
0x57: {  	_ =	swait.ge [sflag:s8], $0x8000  }
0x58: {  	[sflag:s8] =	ssyncset.done $0x0  }
0x59: {  	s1 =	rddreg [dreg:$0x15];
	[sflag:s8] =	ssyncadd.s32 $0xFFFF8000  }
0x5a: {  	[tilespmem:s6], [sflag:$0x2] =	stream.indirect.gather [hbm4b:s4+s5], $0x40, s1, s5, $0xb8;
	[tilespmem:$0x10D00] =	vst v63  }
0x5b: {  	_ = 	snop  }
0x5c: {  	[tilespmem:s12], [sflag:$0x2] =	stream.indirect.gather [hbm4b:s4+s5], $0x40, s29, s5, $0xb8;
	[tilespmem:$0x10D00] =	vst v63  }
0x5d: {  	_ = 	snop  }
0x5e: {  	[tilespmem:s13], [sflag:$0x2] =	stream.indirect.gather [hbm4b:s4+s5], $0x40, s30, s5, $0xb8;
	[tilespmem:$0x10D00] =	vst v63  }
0x5f: {  	_ = 	snop  }
0x60: {  	[tilespmem:s14], [sflag:$0x2] =	stream.indirect.gather [hbm4b:s4+s5], $0x40, s24, s5, $0xb8;
	[tilespmem:$0x10D00] =	vst v63  }
0x61: {  	_ =	swait.ge [sflag:s10], $0x2000  }
0x62: {  	[sflag:s10] =	ssyncset.done $0x0  }
0x63: {  	[sflag:s10] =	ssyncadd.s32 $0xFFFFE000  }
0x64: {  	_ =	swait.ge [sflag:s10], $0x2000  }
0x65: {  	[sflag:s10] =	ssyncset.done $0x0  }
0x66: {  	[sflag:s10] =	ssyncadd.s32 $0xFFFFE000  }
0x67: {  	_ =	swait.ge [sflag:s10], $0x2000  }
0x68: {  	[sflag:s10] =	ssyncset.done $0x0  }
0x69: {  	[sflag:s10] =	ssyncadd.s32 $0xFFFFE000  }
0x6a: {  	_ =	swait.ge [sflag:s10], $0x2000  }
0x6b: {  	[sflag:s10] =	ssyncset.done $0x0  }
0x6c: {  	s1 =	rddreg [dreg:$0x6];
	[sflag:s10] =	ssyncadd.s32 $0xFFFFE000  }
0x6d: {  	[hbm4b:s1+s2] =	stream.linear.scatter [tilespmem:s3], [sflag:$0x3], $0x8000, $0x38;
	[tilespmem:$0x10D00] =	vst v63  }
0x6e: {  	_ =	swait.ge [sflag:s7], $0x8000  }
0x6f: {  	[sflag:s7] =	ssyncset.done $0x0  }
0x70: {  	s1 =	simm.s32 $0x800;
	[sflag:s7] =	ssyncadd.s32 $0xFFFF8000  }
0x71: {  	[tilespmem:s3], [sflag:$0x1] =	stream.indirect.gather [hbm4b:s4+s5], $0x40, s1, s5, $0xb8;
	[tilespmem:$0x10D00] =	vst v63  }
0x72: {  	_ = 	snop  }
0x73: {  	[tilespmem:s9], [sflag:$0x1] =	stream.indirect.gather [hbm4b:s4+s5], $0x40, s25, s5, $0xb8;
	[tilespmem:$0x10D00] =	vst v63  }
0x74: {  	_ = 	snop  }
0x75: {  	[tilespmem:s17], [sflag:$0x1] =	stream.indirect.gather [hbm4b:s4+s5], $0x40, s26, s5, $0xb8;
	[tilespmem:$0x10D00] =	vst v63  }
0x76: {  	_ = 	snop  }
0x77: {  	[tilespmem:s18], [sflag:$0x1] =	stream.indirect.gather [hbm4b:s4+s5], $0x40, s28, s5, $0xb8;
	[tilespmem:$0x10D00] =	vst v63  }
0x78: {  	_ =	swait.ge [sflag:s11], $0x2000  }
0x79: {  	[sflag:s11] =	ssyncset.done $0x0  }
0x7a: {  	[sflag:s11] =	ssyncadd.s32 $0xFFFFE000  }
0x7b: {  	_ =	swait.ge [sflag:s11], $0x2000  }
0x7c: {  	[sflag:s11] =	ssyncset.done $0x0  }
0x7d: {  	[sflag:s11] =	ssyncadd.s32 $0xFFFFE000  }
0x7e: {  	_ =	swait.ge [sflag:s11], $0x2000  }
0x7f: {  	[sflag:s11] =	ssyncset.done $0x0  }
0x80: {  	[sflag:s11] =	ssyncadd.s32 $0xFFFFE000  }
0x81: {  	_ =	swait.ge [sflag:s11], $0x2000  }
0x82: {  	[sflag:s11] =	ssyncset.done $0x0  }
0x83: {  	s1 =	rddreg [dreg:$0x7];
	[sflag:s11] =	ssyncadd.s32 $0xFFFFE000  }
0x84: {  	[hbm4b:s1+s2] =	stream.linear.scatter [tilespmem:s6], [sflag:$0x4], $0x8000, $0x38;
	[tilespmem:$0x10D00] =	vst v63  }
0x85: {  	_ =	swait.ge [sflag:s8], $0x8000  }
0x86: {  	[sflag:s8] =	ssyncset.done $0x0  }
0x87: {  	[sflag:s8] =	ssyncadd.s32 $0xFFFF8000  }
0x88: {  	[tilespmem:s6], [sflag:$0x2] =	stream.indirect.gather [hbm4b:s4+s5], $0x40, s20, s5, $0xb8;
	[tilespmem:$0x10D00] =	vst v63  }
0x89: {  	_ = 	snop  }
0x8a: {  	[tilespmem:s12], [sflag:$0x2] =	stream.indirect.gather [hbm4b:s4+s5], $0x40, s21, s5, $0xb8;
	[tilespmem:$0x10D00] =	vst v63  }
0x8b: {  	_ = 	snop  }
0x8c: {  	[tilespmem:s13], [sflag:$0x2] =	stream.indirect.gather [hbm4b:s4+s5], $0x40, s22, s5, $0xb8;
	[tilespmem:$0x10D00] =	vst v63  }
0x8d: {  	_ = 	snop  }
0x8e: {  	[tilespmem:s14], [sflag:$0x2] =	stream.indirect.gather [hbm4b:s4+s5], $0x40, s23, s5, $0xb8;
	[tilespmem:$0x10D00] =	vst v63  }
0x8f: {  	_ =	swait.ge [sflag:s10], $0x2000  }
0x90: {  	[sflag:s10] =	ssyncset.done $0x0  }
0x91: {  	[sflag:s10] =	ssyncadd.s32 $0xFFFFE000  }
0x92: {  	_ =	swait.ge [sflag:s10], $0x2000  }
0x93: {  	[sflag:s10] =	ssyncset.done $0x0  }
0x94: {  	[sflag:s10] =	ssyncadd.s32 $0xFFFFE000  }
0x95: {  	_ =	swait.ge [sflag:s10], $0x2000  }
0x96: {  	[sflag:s10] =	ssyncset.done $0x0  }
0x97: {  	[sflag:s10] =	ssyncadd.s32 $0xFFFFE000  }
0x98: {  	_ =	swait.ge [sflag:s10], $0x2000  }
0x99: {  	[sflag:s10] =	ssyncset.done $0x0  }
0x9a: {  	s1 =	rddreg [dreg:$0x8];
	[sflag:s10] =	ssyncadd.s32 $0xFFFFE000  }
0x9b: {  	[hbm4b:s1+s2] =	stream.linear.scatter [tilespmem:s3], [sflag:$0x3], $0x8000, $0x38;
	[tilespmem:$0x10D00] =	vst v63  }
0x9c: {  	_ =	swait.ge [sflag:s7], $0x8000  }
0x9d: {  	[sflag:s7] =	ssyncset.done $0x0  }
0x9e: {  	[sflag:s7] =	ssyncadd.s32 $0xFFFF8000  }
0x9f: {  	[tilespmem:s3], [sflag:$0x1] =	stream.indirect.gather [hbm4b:s4+s5], $0x40, s16, s5, $0xb8;
	[tilespmem:$0x10D00] =	vst v63  }
0xa0: {  	_ = 	snop  }
0xa1: {  	[tilespmem:s9], [sflag:$0x1] =	stream.indirect.gather [hbm4b:s4+s5], $0x40, s19, s5, $0xb8;
	[tilespmem:$0x10D00] =	vst v63  }
0xa2: {  	_ =	swait.ge [sflag:s11], $0x2000  }
0xa3: {  	[sflag:s11] =	ssyncset.done $0x0  }
0xa4: {  	[sflag:s11] =	ssyncadd.s32 $0xFFFFE000  }
0xa5: {  	_ =	swait.ge [sflag:s11], $0x2000  }
0xa6: {  	[sflag:s11] =	ssyncset.done $0x0  }
0xa7: {  	[sflag:s11] =	ssyncadd.s32 $0xFFFFE000  }
0xa8: {  	_ =	swait.ge [sflag:s11], $0x2000  }
0xa9: {  	[sflag:s11] =	ssyncset.done $0x0  }
0xaa: {  	[sflag:s11] =	ssyncadd.s32 $0xFFFFE000  }
0xab: {  	_ =	swait.ge [sflag:s11], $0x2000  }
0xac: {  	[sflag:s11] =	ssyncset.done $0x0  }
0xad: {  	s1 =	rddreg [dreg:$0x9];
	[sflag:s11] =	ssyncadd.s32 $0xFFFFE000  }
0xae: {  	[hbm4b:s1+s2] =	stream.linear.scatter [tilespmem:s6], [sflag:$0x4], $0x8000, $0x38;
	[tilespmem:$0x10D00] =	vst v63  }
0xaf: {  	_ =	swait.ge [sflag:s10], $0x2000  }
0xb0: {  	[sflag:s10] =	ssyncset.done $0x0  }
0xb1: {  	[sflag:s10] =	ssyncadd.s32 $0xFFFFE000  }
0xb2: {  	_ =	swait.ge [sflag:s10], $0x2000  }
0xb3: {  	[sflag:s10] =	ssyncset.done $0x0  }
0xb4: {  	p1 =	sne.s32 s15, $0x1;
	s1 =	rddreg [dreg:$0xa];
	[sflag:s10] =	ssyncadd.s32 $0xFFFFE000  }
0xb5: {  	[hbm4b:s1+s2] =	stream.linear.scatter [tilespmem:s3], [sflag:$0x3], $0x4000, $0x38;
	[tilespmem:$0x10D00] =	vst v63  }
.Ltmp1:
0xb6: {  	_ =	swait.ge [sflag:s7], $0x4000;
	(pc) =	sbr.rel @!p1 .LBB2_3-.Ltmp1, $4  }
0xb7: {  	[sflag:s7] =	ssyncset.done $0x0  }
0xb8: {  	[sflag:s7] =	ssyncadd.s32 $0xFFFFC000  }
0xb9: {  	p0 =	por $0x1, $0x1;
	_ =	swait.ge [sflag:s8], $0x8000  }
0xba: {  	s1 =	sadd.s32 $0xFFFFFFFF, s15;
	s0 =	rddreg [dreg:$0x3];
	[sflag:s8] =	ssyncset.done $0x0  }
.LBB2_4:
0xbb: {  	[sflag:s8] =	ssyncadd.s32 $0xFFFF8000  }
0xbc: {  	[tilespmem:s2], [sflag:$0x5] =	stream.linear.gather [hbm4b:s0+s2], $0xD00, $0x38;
	[tilespmem:$0x10D00] =	vst v63  }
0xbd: {  	_ =	swait.ge [sflag:s31], $0xD00  }
0xbe: {  	[sflag:s31] =	ssyncset.done $0x0  }
0xbf: {  	[sflag:s31] =	ssyncadd.s32 $0xFFFFF300  }
0xc0: {  	[tilespmem:s3], [sflag:$0x1] =	stream.indirect.gather [hbm4b:s4+s5], $0x40, s2, s5, $0xb8;
	[tilespmem:$0x10D00] =	vst v63  }
0xc1: {  	_ = 	snop  }
0xc2: {  	[tilespmem:s9], [sflag:$0x1] =	stream.indirect.gather [hbm4b:s4+s5], $0x40, s5, s5, $0xb8;
	[tilespmem:$0x10D00] =	vst v63  }
0xc3: {  	s0 =	rddreg [dreg:$0xb]  }
0xc4: {  	[tilespmem:s17], [sflag:$0x1] =	stream.indirect.gather [hbm4b:s4+s5], $0x40, s0, s5, $0xb8;
	[tilespmem:$0x10D00] =	vst v63  }
0xc5: {  	s15 =	rddreg [dreg:$0xc]  }
0xc6: {  	[tilespmem:s18], [sflag:$0x1] =	stream.indirect.gather [hbm4b:s4+s5], $0x40, s15, s5, $0xb8;
	[tilespmem:$0x10D00] =	vst v63  }
0xc7: {  	s0 =	rddreg [dreg:$0xd]  }
0xc8: {  	[tilespmem:s6], [sflag:$0x2] =	stream.indirect.gather [hbm4b:s4+s5], $0x40, s0, s5, $0xb8;
	[tilespmem:$0x10D00] =	vst v63  }
0xc9: {  	s15 =	rddreg [dreg:$0xe]  }
0xca: {  	[tilespmem:s12], [sflag:$0x2] =	stream.indirect.gather [hbm4b:s4+s5], $0x40, s15, s5, $0xb8;
	[tilespmem:$0x10D00] =	vst v63  }
0xcb: {  	s0 =	rddreg [dreg:$0xf]  }
0xcc: {  	[tilespmem:s13], [sflag:$0x2] =	stream.indirect.gather [hbm4b:s4+s5], $0x40, s0, s5, $0xb8;
	[tilespmem:$0x10D00] =	vst v63  }
0xcd: {  	s15 =	rddreg [dreg:$0x10]  }
0xce: {  	[tilespmem:s14], [sflag:$0x2] =	stream.indirect.gather [hbm4b:s4+s5], $0x40, s15, s5, $0xb8;
	[tilespmem:$0x10D00] =	vst v63  }
0xcf: {  	_ =	swait.ge [sflag:s10], $0x2000  }
0xd0: {  	[sflag:s10] =	ssyncset.done $0x0  }
0xd1: {  	[sflag:s10] =	ssyncadd.s32 $0xFFFFE000  }
0xd2: {  	_ =	swait.ge [sflag:s10], $0x2000  }
0xd3: {  	[sflag:s10] =	ssyncset.done $0x0  }
0xd4: {  	[sflag:s10] =	ssyncadd.s32 $0xFFFFE000  }
0xd5: {  	_ =	swait.ge [sflag:s10], $0x2000  }
0xd6: {  	[sflag:s10] =	ssyncset.done $0x0  }
0xd7: {  	[sflag:s10] =	ssyncadd.s32 $0xFFFFE000  }
0xd8: {  	_ =	swait.ge [sflag:s10], $0x2000  }
0xd9: {  	[sflag:s10] =	ssyncset.done $0x0  }
0xda: {  	s15 =	rddreg [dreg:$0x4];
	[sflag:s10] =	ssyncadd.s32 $0xFFFFE000  }
0xdb: {  	[hbm4b:s15+s2] =	stream.linear.scatter [tilespmem:s3], [sflag:$0x3], $0x8000, $0x38;
	[tilespmem:$0x10D00] =	vst v63  }
0xdc: {  	_ =	swait.ge [sflag:s7], $0x8000  }
0xdd: {  	[sflag:s7] =	ssyncset.done $0x0  }
0xde: {  	s0 =	rddreg [dreg:$0x11];
	[sflag:s7] =	ssyncadd.s32 $0xFFFF8000  }
0xdf: {  	[tilespmem:s3], [sflag:$0x1] =	stream.indirect.gather [hbm4b:s4+s5], $0x40, s0, s5, $0xb8;
	[tilespmem:$0x10D00] =	vst v63  }
0xe0: {  	s15 =	rddreg [dreg:$0x12]  }
0xe1: {  	[tilespmem:s9], [sflag:$0x1] =	stream.indirect.gather [hbm4b:s4+s5], $0x40, s15, s5, $0xb8;
	[tilespmem:$0x10D00] =	vst v63  }
0xe2: {  	s0 =	rddreg [dreg:$0x13]  }
0xe3: {  	[tilespmem:s17], [sflag:$0x1] =	stream.indirect.gather [hbm4b:s4+s5], $0x40, s0, s5, $0xb8;
	[tilespmem:$0x10D00] =	vst v63  }
0xe4: {  	s15 =	rddreg [dreg:$0x14]  }
0xe5: {  	[tilespmem:s18], [sflag:$0x1] =	stream.indirect.gather [hbm4b:s4+s5], $0x40, s15, s5, $0xb8;
	[tilespmem:$0x10D00] =	vst v63  }
0xe6: {  	_ =	swait.ge [sflag:s11], $0x2000  }
0xe7: {  	[sflag:s11] =	ssyncset.done $0x0  }
0xe8: {  	[sflag:s11] =	ssyncadd.s32 $0xFFFFE000  }
0xe9: {  	_ =	swait.ge [sflag:s11], $0x2000  }
0xea: {  	[sflag:s11] =	ssyncset.done $0x0  }
0xeb: {  	[sflag:s11] =	ssyncadd.s32 $0xFFFFE000  }
0xec: {  	_ =	swait.ge [sflag:s11], $0x2000  }
0xed: {  	[sflag:s11] =	ssyncset.done $0x0  }
0xee: {  	[sflag:s11] =	ssyncadd.s32 $0xFFFFE000  }
0xef: {  	_ =	swait.ge [sflag:s11], $0x2000  }
0xf0: {  	[sflag:s11] =	ssyncset.done $0x0  }
0xf1: {  	s15 =	rddreg [dreg:$0x5];
	[sflag:s11] =	ssyncadd.s32 $0xFFFFE000  }
0xf2: {  	[hbm4b:s15+s2] =	stream.linear.scatter [tilespmem:s6], [sflag:$0x4], $0x8000, $0x38;
	[tilespmem:$0x10D00] =	vst v63  }
0xf3: {  	_ =	swait.ge [sflag:s8], $0x8000  }
0xf4: {  	[sflag:s8] =	ssyncset.done $0x0  }
0xf5: {  	s15 =	rddreg [dreg:$0x15];
	[sflag:s8] =	ssyncadd.s32 $0xFFFF8000  }
0xf6: {  	[tilespmem:s6], [sflag:$0x2] =	stream.indirect.gather [hbm4b:s4+s5], $0x40, s15, s5, $0xb8;
	[tilespmem:$0x10D00] =	vst v63  }
0xf7: {  	_ = 	snop  }
0xf8: {  	[tilespmem:s12], [sflag:$0x2] =	stream.indirect.gather [hbm4b:s4+s5], $0x40, s29, s5, $0xb8;
	[tilespmem:$0x10D00] =	vst v63  }
0xf9: {  	_ = 	snop  }
0xfa: {  	[tilespmem:s13], [sflag:$0x2] =	stream.indirect.gather [hbm4b:s4+s5], $0x40, s30, s5, $0xb8;
	[tilespmem:$0x10D00] =	vst v63  }
0xfb: {  	_ = 	snop  }
0xfc: {  	[tilespmem:s14], [sflag:$0x2] =	stream.indirect.gather [hbm4b:s4+s5], $0x40, s24, s5, $0xb8;
	[tilespmem:$0x10D00] =	vst v63  }
0xfd: {  	_ =	swait.ge [sflag:s10], $0x2000  }
0xfe: {  	[sflag:s10] =	ssyncset.done $0x0  }
0xff: {  	[sflag:s10] =	ssyncadd.s32 $0xFFFFE000  }
0x100: {  	_ =	swait.ge [sflag:s10], $0x2000  }
0x101: {  	[sflag:s10] =	ssyncset.done $0x0  }
0x102: {  	[sflag:s10] =	ssyncadd.s32 $0xFFFFE000  }
0x103: {  	_ =	swait.ge [sflag:s10], $0x2000  }
0x104: {  	[sflag:s10] =	ssyncset.done $0x0  }
0x105: {  	[sflag:s10] =	ssyncadd.s32 $0xFFFFE000  }
0x106: {  	_ =	swait.ge [sflag:s10], $0x2000  }
0x107: {  	[sflag:s10] =	ssyncset.done $0x0  }
0x108: {  	s15 =	rddreg [dreg:$0x6];
	[sflag:s10] =	ssyncadd.s32 $0xFFFFE000  }
0x109: {  	[hbm4b:s15+s2] =	stream.linear.scatter [tilespmem:s3], [sflag:$0x3], $0x8000, $0x38;
	[tilespmem:$0x10D00] =	vst v63  }
0x10a: {  	_ =	swait.ge [sflag:s7], $0x8000  }
0x10b: {  	[sflag:s7] =	ssyncset.done $0x0  }
0x10c: {  	s15 =	simm.s32 $0x800;
	[sflag:s7] =	ssyncadd.s32 $0xFFFF8000  }
0x10d: {  	[tilespmem:s3], [sflag:$0x1] =	stream.indirect.gather [hbm4b:s4+s5], $0x40, s15, s5, $0xb8;
	[tilespmem:$0x10D00] =	vst v63  }
0x10e: {  	_ = 	snop  }
0x10f: {  	[tilespmem:s9], [sflag:$0x1] =	stream.indirect.gather [hbm4b:s4+s5], $0x40, s25, s5, $0xb8;
	[tilespmem:$0x10D00] =	vst v63  }
0x110: {  	_ = 	snop  }
0x111: {  	[tilespmem:s17], [sflag:$0x1] =	stream.indirect.gather [hbm4b:s4+s5], $0x40, s26, s5, $0xb8;
	[tilespmem:$0x10D00] =	vst v63  }
0x112: {  	_ = 	snop  }
0x113: {  	[tilespmem:s18], [sflag:$0x1] =	stream.indirect.gather [hbm4b:s4+s5], $0x40, s28, s5, $0xb8;
	[tilespmem:$0x10D00] =	vst v63  }
0x114: {  	_ =	swait.ge [sflag:s11], $0x2000  }
0x115: {  	[sflag:s11] =	ssyncset.done $0x0  }
0x116: {  	[sflag:s11] =	ssyncadd.s32 $0xFFFFE000  }
0x117: {  	_ =	swait.ge [sflag:s11], $0x2000  }
0x118: {  	[sflag:s11] =	ssyncset.done $0x0  }
0x119: {  	[sflag:s11] =	ssyncadd.s32 $0xFFFFE000  }
0x11a: {  	_ =	swait.ge [sflag:s11], $0x2000  }
0x11b: {  	[sflag:s11] =	ssyncset.done $0x0  }
0x11c: {  	[sflag:s11] =	ssyncadd.s32 $0xFFFFE000  }
0x11d: {  	_ =	swait.ge [sflag:s11], $0x2000  }
0x11e: {  	[sflag:s11] =	ssyncset.done $0x0  }
0x11f: {  	s15 =	rddreg [dreg:$0x7];
	[sflag:s11] =	ssyncadd.s32 $0xFFFFE000  }
0x120: {  	[hbm4b:s15+s2] =	stream.linear.scatter [tilespmem:s6], [sflag:$0x4], $0x8000, $0x38;
	[tilespmem:$0x10D00] =	vst v63  }
0x121: {  	_ =	swait.ge [sflag:s8], $0x8000  }
0x122: {  	[sflag:s8] =	ssyncset.done $0x0  }
0x123: {  	[sflag:s8] =	ssyncadd.s32 $0xFFFF8000  }
0x124: {  	[tilespmem:s6], [sflag:$0x2] =	stream.indirect.gather [hbm4b:s4+s5], $0x40, s20, s5, $0xb8;
	[tilespmem:$0x10D00] =	vst v63  }
0x125: {  	_ = 	snop  }
0x126: {  	[tilespmem:s12], [sflag:$0x2] =	stream.indirect.gather [hbm4b:s4+s5], $0x40, s21, s5, $0xb8;
	[tilespmem:$0x10D00] =	vst v63  }
0x127: {  	_ = 	snop  }
0x128: {  	[tilespmem:s13], [sflag:$0x2] =	stream.indirect.gather [hbm4b:s4+s5], $0x40, s22, s5, $0xb8;
	[tilespmem:$0x10D00] =	vst v63  }
0x129: {  	_ = 	snop  }
0x12a: {  	[tilespmem:s14], [sflag:$0x2] =	stream.indirect.gather [hbm4b:s4+s5], $0x40, s23, s5, $0xb8;
	[tilespmem:$0x10D00] =	vst v63  }
0x12b: {  	_ =	swait.ge [sflag:s10], $0x2000  }
0x12c: {  	[sflag:s10] =	ssyncset.done $0x0  }
0x12d: {  	[sflag:s10] =	ssyncadd.s32 $0xFFFFE000  }
0x12e: {  	_ =	swait.ge [sflag:s10], $0x2000  }
0x12f: {  	[sflag:s10] =	ssyncset.done $0x0  }
0x130: {  	[sflag:s10] =	ssyncadd.s32 $0xFFFFE000  }
0x131: {  	_ =	swait.ge [sflag:s10], $0x2000  }
0x132: {  	[sflag:s10] =	ssyncset.done $0x0  }
0x133: {  	[sflag:s10] =	ssyncadd.s32 $0xFFFFE000  }
0x134: {  	_ =	swait.ge [sflag:s10], $0x2000  }
0x135: {  	[sflag:s10] =	ssyncset.done $0x0  }
0x136: {  	s15 =	rddreg [dreg:$0x8];
	[sflag:s10] =	ssyncadd.s32 $0xFFFFE000  }
0x137: {  	[hbm4b:s15+s2] =	stream.linear.scatter [tilespmem:s3], [sflag:$0x3], $0x8000, $0x38;
	[tilespmem:$0x10D00] =	vst v63  }
0x138: {  	_ =	swait.ge [sflag:s7], $0x8000  }
0x139: {  	[sflag:s7] =	ssyncset.done $0x0  }
0x13a: {  	[sflag:s7] =	ssyncadd.s32 $0xFFFF8000  }
0x13b: {  	[tilespmem:s3], [sflag:$0x1] =	stream.indirect.gather [hbm4b:s4+s5], $0x40, s16, s5, $0xb8;
	[tilespmem:$0x10D00] =	vst v63  }
0x13c: {  	_ = 	snop  }
0x13d: {  	[tilespmem:s9], [sflag:$0x1] =	stream.indirect.gather [hbm4b:s4+s5], $0x40, s19, s5, $0xb8;
	[tilespmem:$0x10D00] =	vst v63  }
0x13e: {  	_ =	swait.ge [sflag:s11], $0x2000  }
0x13f: {  	[sflag:s11] =	ssyncset.done $0x0  }
0x140: {  	[sflag:s11] =	ssyncadd.s32 $0xFFFFE000  }
0x141: {  	_ =	swait.ge [sflag:s11], $0x2000  }
0x142: {  	[sflag:s11] =	ssyncset.done $0x0  }
0x143: {  	[sflag:s11] =	ssyncadd.s32 $0xFFFFE000  }
0x144: {  	_ =	swait.ge [sflag:s11], $0x2000  }
0x145: {  	[sflag:s11] =	ssyncset.done $0x0  }
0x146: {  	[sflag:s11] =	ssyncadd.s32 $0xFFFFE000  }
0x147: {  	_ =	swait.ge [sflag:s11], $0x2000  }
0x148: {  	[sflag:s11] =	ssyncset.done $0x0  }
0x149: {  	s15 =	rddreg [dreg:$0x9];
	[sflag:s11] =	ssyncadd.s32 $0xFFFFE000  }
0x14a: {  	[hbm4b:s15+s2] =	stream.linear.scatter [tilespmem:s6], [sflag:$0x4], $0x8000, $0x38;
	[tilespmem:$0x10D00] =	vst v63  }
0x14b: {  	_ =	swait.ge [sflag:s10], $0x2000  }
0x14c: {  	[sflag:s10] =	ssyncset.done $0x0  }
0x14d: {  	[sflag:s10] =	ssyncadd.s32 $0xFFFFE000  }
0x14e: {  	_ =	swait.ge [sflag:s10], $0x2000  }
0x14f: {  	[sflag:s10] =	ssyncset.done $0x0  }
0x150: {  	p1 =	sne.s32 s1, $0x1;
	s15 =	rddreg [dreg:$0xa];
	[sflag:s10] =	ssyncadd.s32 $0xFFFFE000  }
0x151: {  	[hbm4b:s15+s2] =	stream.linear.scatter [tilespmem:s3], [sflag:$0x3], $0x4000, $0x38;
	[tilespmem:$0x10D00] =	vst v63  }
.Ltmp2:
0x152: {  	_ =	swait.ge [sflag:s7], $0x4000;
	(pc) =	sbr.rel @p1 .LBB2_4-.Ltmp2, $4  }
0x153: {  	[sflag:s7] =	ssyncset.done $0x0  }
0x154: {  	[sflag:s7] =	ssyncadd.s32 $0xFFFFC000  }
0x155: {  	_ =	swait.ge [sflag:s8], $0x8000  }
0x156: {  	s1 =	sadd.s32 $0xFFFFFFFF, s1;
	s0 =	rddreg [dreg:$0x3];
	[sflag:s8] =	ssyncset.done $0x0  }
0x157: {  	s19 =	simm.s32 $0x780  }
0x158: {  	s30 =	simm.s32 $0x700;
	s29 =	simm.s32 $0x680;
	s28 =	simm.s32 $0x980  }
0x159: {  	s26 =	simm.s32 $0x900;
	s25 =	simm.s32 $0x880;
	s24 =	simm.s32 $0x800  }
0x15a: {  	s23 =	simm.s32 $0xB80;
	s22 =	simm.s32 $0xB00;
	s21 =	simm.s32 $0xA80  }
0x15b: {  	s20 =	simm.s32 $0xA00;
	s16 =	simm.s32 $0xC00;
	s15 =	stileid.u32  }
.LBB2_6:
0x15c: {  	[sflag:s8] =	ssyncadd.s32 @p0 $0xFFFF8000  }
0x15d: {  	[tilespmem:s2], [sflag:$0x5] =	stream.linear.gather [hbm4b:s0+s2], $0xD00, $0x38;
	[tilespmem:$0x10D00] =	vst v63  }
0x15e: {  	_ =	swait.ge [sflag:s31], $0xD00  }
0x15f: {  	[sflag:s31] =	ssyncset.done $0x0  }
0x160: {  	[sflag:s31] =	ssyncadd.s32 $0xFFFFF300  }
0x161: {  	[tilespmem:s3], [sflag:$0x1] =	stream.indirect.gather [hbm4b:s4+s5], $0x40, s2, s5, $0xb8;
	[tilespmem:$0x10D00] =	vst v63  }
0x162: {  	_ = 	snop  }
0x163: {  	[tilespmem:s9], [sflag:$0x1] =	stream.indirect.gather [hbm4b:s4+s5], $0x40, s5, s5, $0xb8;
	[tilespmem:$0x10D00] =	vst v63  }
0x164: {  	s31 =	rddreg [dreg:$0xb]  }
0x165: {  	[tilespmem:s17], [sflag:$0x1] =	stream.indirect.gather [hbm4b:s4+s5], $0x40, s31, s5, $0xb8;
	[tilespmem:$0x10D00] =	vst v63  }
0x166: {  	s1 =	rddreg [dreg:$0xc]  }
0x167: {  	[tilespmem:s18], [sflag:$0x1] =	stream.indirect.gather [hbm4b:s4+s5], $0x40, s1, s5, $0xb8;
	[tilespmem:$0x10D00] =	vst v63  }
0x168: {  	s0 =	rddreg [dreg:$0xd]  }
0x169: {  	[tilespmem:s6], [sflag:$0x2] =	stream.indirect.gather [hbm4b:s4+s5], $0x40, s0, s5, $0xb8;
	[tilespmem:$0x10D00] =	vst v63  }
0x16a: {  	s31 =	rddreg [dreg:$0xe]  }
0x16b: {  	[tilespmem:s12], [sflag:$0x2] =	stream.indirect.gather [hbm4b:s4+s5], $0x40, s31, s5, $0xb8;
	[tilespmem:$0x10D00] =	vst v63  }
0x16c: {  	s0 =	rddreg [dreg:$0xf]  }
0x16d: {  	[tilespmem:s13], [sflag:$0x2] =	stream.indirect.gather [hbm4b:s4+s5], $0x40, s0, s5, $0xb8;
	[tilespmem:$0x10D00] =	vst v63  }
0x16e: {  	s31 =	rddreg [dreg:$0x10]  }
0x16f: {  	[tilespmem:s14], [sflag:$0x2] =	stream.indirect.gather [hbm4b:s4+s5], $0x40, s31, s5, $0xb8;
	[tilespmem:$0x10D00] =	vst v63  }
0x170: {  	_ =	swait.ge [sflag:s10], $0x2000  }
0x171: {  	[sflag:s10] =	ssyncset.done $0x0  }
0x172: {  	[sflag:s10] =	ssyncadd.s32 $0xFFFFE000  }
0x173: {  	_ =	swait.ge [sflag:s10], $0x2000  }
0x174: {  	[sflag:s10] =	ssyncset.done $0x0  }
0x175: {  	[sflag:s10] =	ssyncadd.s32 $0xFFFFE000  }
0x176: {  	_ =	swait.ge [sflag:s10], $0x2000  }
0x177: {  	[sflag:s10] =	ssyncset.done $0x0  }
0x178: {  	[sflag:s10] =	ssyncadd.s32 $0xFFFFE000  }
0x179: {  	_ =	swait.ge [sflag:s10], $0x2000  }
0x17a: {  	[sflag:s10] =	ssyncset.done $0x0  }
0x17b: {  	s31 =	rddreg [dreg:$0x4];
	[sflag:s10] =	ssyncadd.s32 $0xFFFFE000  }
0x17c: {  	[hbm4b:s31+s2] =	stream.linear.scatter [tilespmem:s3], [sflag:$0x3], $0x8000, $0x38;
	[tilespmem:$0x10D00] =	vst v63  }
0x17d: {  	_ =	swait.ge [sflag:s7], $0x8000  }
0x17e: {  	[sflag:s7] =	ssyncset.done $0x0  }
0x17f: {  	s1 =	rddreg [dreg:$0x11];
	[sflag:s7] =	ssyncadd.s32 $0xFFFF8000  }
0x180: {  	[tilespmem:s3], [sflag:$0x1] =	stream.indirect.gather [hbm4b:s4+s5], $0x40, s1, s5, $0xb8;
	[tilespmem:$0x10D00] =	vst v63  }
0x181: {  	s31 =	rddreg [dreg:$0x12]  }
0x182: {  	[tilespmem:s9], [sflag:$0x1] =	stream.indirect.gather [hbm4b:s4+s5], $0x40, s31, s5, $0xb8;
	[tilespmem:$0x10D00] =	vst v63  }
0x183: {  	s0 =	rddreg [dreg:$0x13]  }
0x184: {  	[tilespmem:s17], [sflag:$0x1] =	stream.indirect.gather [hbm4b:s4+s5], $0x40, s0, s5, $0xb8;
	[tilespmem:$0x10D00] =	vst v63  }
0x185: {  	s31 =	rddreg [dreg:$0x14]  }
0x186: {  	[tilespmem:s18], [sflag:$0x1] =	stream.indirect.gather [hbm4b:s4+s5], $0x40, s31, s5, $0xb8;
	[tilespmem:$0x10D00] =	vst v63  }
0x187: {  	_ =	swait.ge [sflag:s11], $0x2000  }
0x188: {  	[sflag:s11] =	ssyncset.done $0x0  }
0x189: {  	[sflag:s11] =	ssyncadd.s32 $0xFFFFE000  }
0x18a: {  	_ =	swait.ge [sflag:s11], $0x2000  }
0x18b: {  	[sflag:s11] =	ssyncset.done $0x0  }
0x18c: {  	[sflag:s11] =	ssyncadd.s32 $0xFFFFE000  }
0x18d: {  	_ =	swait.ge [sflag:s11], $0x2000  }
0x18e: {  	[sflag:s11] =	ssyncset.done $0x0  }
0x18f: {  	[sflag:s11] =	ssyncadd.s32 $0xFFFFE000  }
0x190: {  	_ =	swait.ge [sflag:s11], $0x2000  }
0x191: {  	[sflag:s11] =	ssyncset.done $0x0  }
0x192: {  	s31 =	rddreg [dreg:$0x5];
	[sflag:s11] =	ssyncadd.s32 $0xFFFFE000  }
0x193: {  	[hbm4b:s31+s2] =	stream.linear.scatter [tilespmem:s6], [sflag:$0x4], $0x8000, $0x38;
	[tilespmem:$0x10D00] =	vst v63  }
0x194: {  	_ =	swait.ge [sflag:s8], $0x8000  }
0x195: {  	[sflag:s8] =	ssyncset.done $0x0  }
0x196: {  	s1 =	rddreg [dreg:$0x15];
	[sflag:s8] =	ssyncadd.s32 $0xFFFF8000  }
0x197: {  	[tilespmem:s6], [sflag:$0x2] =	stream.indirect.gather [hbm4b:s4+s5], $0x40, s1, s5, $0xb8;
	[tilespmem:$0x10D00] =	vst v63  }
0x198: {  	_ = 	snop  }
0x199: {  	[tilespmem:s12], [sflag:$0x2] =	stream.indirect.gather [hbm4b:s4+s5], $0x40, s29, s5, $0xb8;
	[tilespmem:$0x10D00] =	vst v63  }
0x19a: {  	_ = 	snop  }
0x19b: {  	[tilespmem:s13], [sflag:$0x2] =	stream.indirect.gather [hbm4b:s4+s5], $0x40, s30, s5, $0xb8;
	[tilespmem:$0x10D00] =	vst v63  }
0x19c: {  	_ = 	snop  }
0x19d: {  	[tilespmem:s14], [sflag:$0x2] =	stream.indirect.gather [hbm4b:s4+s5], $0x40, s19, s5, $0xb8;
	[tilespmem:$0x10D00] =	vst v63  }
0x19e: {  	_ =	swait.ge [sflag:s10], $0x2000  }
0x19f: {  	[sflag:s10] =	ssyncset.done $0x0  }
0x1a0: {  	[sflag:s10] =	ssyncadd.s32 $0xFFFFE000  }
0x1a1: {  	_ =	swait.ge [sflag:s10], $0x2000  }
0x1a2: {  	[sflag:s10] =	ssyncset.done $0x0  }
0x1a3: {  	[sflag:s10] =	ssyncadd.s32 $0xFFFFE000  }
0x1a4: {  	_ =	swait.ge [sflag:s10], $0x2000  }
0x1a5: {  	[sflag:s10] =	ssyncset.done $0x0  }
0x1a6: {  	[sflag:s10] =	ssyncadd.s32 $0xFFFFE000  }
0x1a7: {  	_ =	swait.ge [sflag:s10], $0x2000  }
0x1a8: {  	[sflag:s10] =	ssyncset.done $0x0  }
0x1a9: {  	s19 =	rddreg [dreg:$0x6];
	[sflag:s10] =	ssyncadd.s32 $0xFFFFE000  }
0x1aa: {  	[hbm4b:s19+s2] =	stream.linear.scatter [tilespmem:s3], [sflag:$0x3], $0x8000, $0x38;
	[tilespmem:$0x10D00] =	vst v63  }
0x1ab: {  	_ =	swait.ge [sflag:s7], $0x8000  }
0x1ac: {  	[sflag:s7] =	ssyncset.done $0x0  }
0x1ad: {  	[sflag:s7] =	ssyncadd.s32 $0xFFFF8000  }
0x1ae: {  	[tilespmem:s3], [sflag:$0x1] =	stream.indirect.gather [hbm4b:s4+s5], $0x40, s24, s5, $0xb8;
	[tilespmem:$0x10D00] =	vst v63  }
0x1af: {  	_ = 	snop  }
0x1b0: {  	[tilespmem:s9], [sflag:$0x1] =	stream.indirect.gather [hbm4b:s4+s5], $0x40, s25, s5, $0xb8;
	[tilespmem:$0x10D00] =	vst v63  }
0x1b1: {  	_ = 	snop  }
0x1b2: {  	[tilespmem:s17], [sflag:$0x1] =	stream.indirect.gather [hbm4b:s4+s5], $0x40, s26, s5, $0xb8;
	[tilespmem:$0x10D00] =	vst v63  }
0x1b3: {  	_ = 	snop  }
0x1b4: {  	[tilespmem:s18], [sflag:$0x1] =	stream.indirect.gather [hbm4b:s4+s5], $0x40, s28, s5, $0xb8;
	[tilespmem:$0x10D00] =	vst v63  }
0x1b5: {  	_ =	swait.ge [sflag:s11], $0x2000  }
0x1b6: {  	[sflag:s11] =	ssyncset.done $0x0  }
0x1b7: {  	[sflag:s11] =	ssyncadd.s32 $0xFFFFE000  }
0x1b8: {  	_ =	swait.ge [sflag:s11], $0x2000  }
0x1b9: {  	[sflag:s11] =	ssyncset.done $0x0  }
0x1ba: {  	[sflag:s11] =	ssyncadd.s32 $0xFFFFE000  }
0x1bb: {  	_ =	swait.ge [sflag:s11], $0x2000  }
0x1bc: {  	[sflag:s11] =	ssyncset.done $0x0  }
0x1bd: {  	[sflag:s11] =	ssyncadd.s32 $0xFFFFE000  }
0x1be: {  	_ =	swait.ge [sflag:s11], $0x2000  }
0x1bf: {  	[sflag:s11] =	ssyncset.done $0x0  }
0x1c0: {  	s26 =	rddreg [dreg:$0x7];
	[sflag:s11] =	ssyncadd.s32 $0xFFFFE000  }
0x1c1: {  	[hbm4b:s26+s2] =	stream.linear.scatter [tilespmem:s6], [sflag:$0x4], $0x8000, $0x38;
	[tilespmem:$0x10D00] =	vst v63  }
0x1c2: {  	_ =	swait.ge [sflag:s8], $0x8000  }
0x1c3: {  	[sflag:s8] =	ssyncset.done $0x0  }
0x1c4: {  	[sflag:s8] =	ssyncadd.s32 $0xFFFF8000  }
0x1c5: {  	[tilespmem:s6], [sflag:$0x2] =	stream.indirect.gather [hbm4b:s4+s5], $0x40, s20, s5, $0xb8;
	[tilespmem:$0x10D00] =	vst v63  }
0x1c6: {  	_ = 	snop  }
0x1c7: {  	[tilespmem:s12], [sflag:$0x2] =	stream.indirect.gather [hbm4b:s4+s5], $0x40, s21, s5, $0xb8;
	[tilespmem:$0x10D00] =	vst v63  }
0x1c8: {  	_ = 	snop  }
0x1c9: {  	[tilespmem:s13], [sflag:$0x2] =	stream.indirect.gather [hbm4b:s4+s5], $0x40, s22, s5, $0xb8;
	[tilespmem:$0x10D00] =	vst v63  }
0x1ca: {  	_ = 	snop  }
0x1cb: {  	[tilespmem:s14], [sflag:$0x2] =	stream.indirect.gather [hbm4b:s4+s5], $0x40, s23, s5, $0xb8;
	[tilespmem:$0x10D00] =	vst v63  }
0x1cc: {  	_ =	swait.ge [sflag:s10], $0x2000  }
0x1cd: {  	[sflag:s10] =	ssyncset.done $0x0  }
0x1ce: {  	[sflag:s10] =	ssyncadd.s32 $0xFFFFE000  }
0x1cf: {  	_ =	swait.ge [sflag:s10], $0x2000  }
0x1d0: {  	[sflag:s10] =	ssyncset.done $0x0  }
0x1d1: {  	[sflag:s10] =	ssyncadd.s32 $0xFFFFE000  }
0x1d2: {  	_ =	swait.ge [sflag:s10], $0x2000  }
0x1d3: {  	[sflag:s10] =	ssyncset.done $0x0  }
0x1d4: {  	[sflag:s10] =	ssyncadd.s32 $0xFFFFE000  }
0x1d5: {  	_ =	swait.ge [sflag:s10], $0x2000  }
0x1d6: {  	[sflag:s10] =	ssyncset.done $0x0  }
0x1d7: {  	s28 =	rddreg [dreg:$0x8];
	[sflag:s10] =	ssyncadd.s32 $0xFFFFE000  }
0x1d8: {  	[hbm4b:s28+s2] =	stream.linear.scatter [tilespmem:s3], [sflag:$0x3], $0x8000, $0x38;
	[tilespmem:$0x10D00] =	vst v63  }
0x1d9: {  	_ =	swait.ge [sflag:s7], $0x8000  }
0x1da: {  	[sflag:s7] =	ssyncset.done $0x0  }
0x1db: {  	[sflag:s7] =	ssyncadd.s32 $0xFFFF8000  }
0x1dc: {  	[tilespmem:s3], [sflag:$0x1] =	stream.indirect.gather [hbm4b:s4+s5], $0x40, s16, s5, $0xb8;
	[tilespmem:$0x10D00] =	vst v63  }
0x1dd: {  	s29 =	simm.s32 $0xC80  }
0x1de: {  	[tilespmem:s9], [sflag:$0x1] =	stream.indirect.gather [hbm4b:s4+s5], $0x40, s29, s5, $0xb8;
	[tilespmem:$0x10D00] =	vst v63  }
0x1df: {  	_ =	swait.ge [sflag:s11], $0x2000  }
0x1e0: {  	[sflag:s11] =	ssyncset.done $0x0  }
0x1e1: {  	[sflag:s11] =	ssyncadd.s32 $0xFFFFE000  }
0x1e2: {  	_ =	swait.ge [sflag:s11], $0x2000  }
0x1e3: {  	[sflag:s11] =	ssyncset.done $0x0  }
0x1e4: {  	[sflag:s11] =	ssyncadd.s32 $0xFFFFE000  }
0x1e5: {  	_ =	swait.ge [sflag:s11], $0x2000  }
0x1e6: {  	[sflag:s11] =	ssyncset.done $0x0  }
0x1e7: {  	[sflag:s11] =	ssyncadd.s32 $0xFFFFE000  }
0x1e8: {  	_ =	swait.ge [sflag:s11], $0x2000  }
0x1e9: {  	[sflag:s11] =	ssyncset.done $0x0  }
0x1ea: {  	s30 =	rddreg [dreg:$0x9];
	[sflag:s11] =	ssyncadd.s32 $0xFFFFE000  }
0x1eb: {  	[hbm4b:s30+s2] =	stream.linear.scatter [tilespmem:s6], [sflag:$0x4], $0x8000, $0x38;
	[tilespmem:$0x10D00] =	vst v63  }
0x1ec: {  	_ =	swait.ge [sflag:s10], $0x2000  }
0x1ed: {  	[sflag:s10] =	ssyncset.done $0x0  }
0x1ee: {  	[sflag:s10] =	ssyncadd.s32 $0xFFFFE000  }
0x1ef: {  	_ =	swait.ge [sflag:s10], $0x2000  }
0x1f0: {  	[sflag:s10] =	ssyncset.done $0x0  }
0x1f1: {  	s31 =	rddreg [dreg:$0xa];
	[sflag:s10] =	ssyncadd.s32 $0xFFFFE000  }
0x1f2: {  	[hbm4b:s31+s2] =	stream.linear.scatter [tilespmem:s3], [sflag:$0x3], $0x4000, $0x38;
	[tilespmem:$0x10D00] =	vst v63  }
0x1f3: {  	_ =	swait.ge [sflag:s7], $0x4000  }
0x1f4: {  	[sflag:s7] =	ssyncset.done $0x0  }
0x1f5: {  	[sflag:s7] =	ssyncadd.s32 $0xFFFFC000  }
0x1f6: {  	_ =	swait.ge [sflag:s8], $0x8000  }
0x1f7: {  	[sflag:s8] =	ssyncset.done $0x0  }
0x1f8: {  	[sflag:s8] =	ssyncadd.s32 $0xFFFF8000  }
0x1f9: {  	_ =	sfence.sel $0x180000  }
0x1fa: {  	[bflag:$0x0] =	sbarrier.arrive $0xFFFF  }
0x1fb: {  	_ =	strace $0x90000047  }
0x1fc: {  	[bflag:$0x2] =	sbarrier.arrive $0xFFFF  }
0x1fd: {  	p0 =	sne.s32 s15, $0x0;
	s0 =	rddreg [dreg:$0x2]  }
0x1fe: {  	s0 =	sadd.s32 @!p0 $0x100000, s0  }
0x1ff: {  	[sflag:s0] =	ssyncadd.tile.s32 @!p0 $0x1;
	_ =	shalt  }
.LBB2_1:
.Ltmp3:
0x200: {  	(pc) =	sbr.rel .LBB2_6-.Ltmp3, $4  }
0x201: {  	s19 =	simm.s32 $0x780;
	s30 =	simm.s32 $0x700;
	s29 =	simm.s32 $0x680  }
0x202: {  	s28 =	simm.s32 $0x980;
	s26 =	simm.s32 $0x900;
	s25 =	simm.s32 $0x880  }
0x203: {  	s24 =	simm.s32 $0x800;
	s23 =	simm.s32 $0xB80;
	s22 =	simm.s32 $0xB00  }
0x204: {  	s21 =	simm.s32 $0xA80;
	s20 =	simm.s32 $0xA00;
	s16 =	simm.s32 $0xC00  }
.LBB2_3:
.Ltmp4:
0x205: {  	s19 =	simm.s32 $0x780;
	(pc) =	sbr.rel .LBB2_6-.Ltmp4, $4  }
0x206: {  	s30 =	simm.s32 $0x700;
	s29 =	simm.s32 $0x680;
	s28 =	simm.s32 $0x980  }
0x207: {  	s26 =	simm.s32 $0x900;
	s25 =	simm.s32 $0x880;
	s24 =	simm.s32 $0x800  }
0x208: {  	s23 =	simm.s32 $0xB80;
	s22 =	simm.s32 $0xB00;
	s21 =	simm.s32 $0xA80  }
0x209: {  	s20 =	simm.s32 $0xA00;
	s16 =	simm.s32 $0xC00;
	s15 =	stileid.u32  }
.Lfunc_end2:
_tile_overlayer_lowered:
.L_overlay_start_2:
0x20a: {  	(tag) =	ssettag $0x2  }
0x20b: {  	s0 =	rddreg [dreg:$0x0];
	s2 =	stileid.u32  }
0x20c: {  	s1 =	rddreg [dreg:$0x1];
	p0 =	sne.s32 s2, $0x0  }
0x20d: {  	s3 =	rddreg [dreg:$0x2];
	[bflag:$0x3] =	sbarrier.arrive $0xFFFF;
	s2 =	simm.s32 @!p0 $0x1C05  }
0x20e: {  	[timem:s3], [sflag:s2] =	dma.local @!p0 [hbm:s0], s1  }
0x20f: {  	s0 =	simm.s32 @!p0 $0x5  }
0x210: {  	_ =	swait.ge @!p0 [sflag:s0], s1  }
0x211: {  	s1 =	ssub.s32 @!p0 $0x0, s1;
	[sflag:s0] =	ssyncset.done @!p0 $0x0  }
0x212: {  	[sflag:s0] =	ssyncadd.s32 @!p0 s1  }
0x213: {  	[bflag:$0x3] =	sbarrier.arrive $0xFFFF  }
0x214: {  	_ =	shalt  }

</sc_bundles>
